<compile_context>
chip_gen: v7x
topology: tpu7x:2x2x1
jax: 0.10.2.dev20260603
libtpu: 0.0.44.dev20260713+nightly
codegen_flags: <defaults>
</compile_context>

<pallas_src>
import functools

import jax
import jax.numpy as jnp
import numpy as np
from jax import lax
from jax.experimental import pallas as pl
from jax.experimental.pallas import tpu as pltpu
from jax.experimental.pallas import tpu_sc as plsc

_ANCHORS = np.array([[10.0, 13.0], [16.0, 30.0], [33.0, 23.0]], dtype=np.float32)
_IMG_SIZE = 608.0


def _decode_kernel(x_ref, bbox_ref, conf_ref, cls_ref, *, stride, anchors):
    a = pl.program_id(1)
    p = x_ref[0]
    G = p.shape[1]
    gx = jax.lax.broadcasted_iota(jnp.int32, (G, G), 1).astype(p.dtype)
    gy = jax.lax.broadcasted_iota(jnp.int32, (G, G), 0).astype(p.dtype)
    aw = jnp.where(a == 0, anchors[0, 0], jnp.where(a == 1, anchors[1, 0], anchors[2, 0]))
    ah = jnp.where(a == 0, anchors[0, 1], jnp.where(a == 1, anchors[1, 1], anchors[2, 1]))
    bx = (jax.nn.sigmoid(p[0]) + gx) * stride
    by = (jax.nn.sigmoid(p[1]) + gy) * stride
    bw = jnp.exp(p[2]) * aw
    bh = jnp.exp(p[3]) * ah
    bbox = jnp.stack((bx, by, bw, bh), axis=0)
    bbox_ref[0, 0] = jnp.transpose(bbox, (1, 2, 0))
    cls_ref[0, 0] = jnp.transpose(jax.nn.sigmoid(p[5:]), (1, 2, 0))
    del conf_ref


def _make_sc_conf(B, A, G, CH):
    info = plsc.get_sparse_core_info()
    NC, NS = info.num_cores, info.num_subcores
    NW = NC * NS
    n_items = B * A
    per_w = n_items // NW
    n_chunks = (G + 15) // 16
    mesh = plsc.VectorSubcoreMesh(core_axis_name="c", subcore_axis_name="s")

    @functools.partial(
        pl.kernel,
        mesh=mesh,
        out_type=jax.ShapeDtypeStruct((B, A, G, G), jnp.float32),
        scratch_types=[
            pltpu.VMEM((G, G), jnp.float32),
            pltpu.VMEM((G, G), jnp.float32),
        ],
    )
    def sc_conf(x_hbm, conf_hbm, buf, obuf):
        wid = lax.axis_index("s") * NC + lax.axis_index("c")
        starts = list(range(0, G - 15, 16))
        if starts[-1] + 16 < G:
            starts.append(G - 16)
        for i in range(per_w):
            item = wid * per_w + i
            b = item // A
            a = item % A
            pltpu.sync_copy(x_hbm.at[b, (CH + 5) * a + 4], buf)

            def g_body(g, carry):
                for j0 in starts:
                    v = buf[g, pl.ds(j0, 16)]
                    obuf[g, pl.ds(j0, 16)] = 1.0 / (1.0 + jnp.exp(-v))
                return carry

            lax.fori_loop(0, G, g_body, 0)
            pltpu.sync_copy(obuf, conf_hbm.at[b, a])

    return sc_conf


def kernel(x):
    B = x.shape[0]
    G = x.shape[2]
    A = _ANCHORS.shape[0]
    C = x.shape[1] // A - 5
    stride = _IMG_SIZE / G

    conf = _make_sc_conf(B, A, G, C)(x)

    bbox, _, cls_ = pl.pallas_call(
        lambda *refs: _decode_kernel(*refs, stride=stride, anchors=_ANCHORS),
        grid=(B, A),
        in_specs=[
            pl.BlockSpec((1, C + 5, G, G), lambda b, a: (b, a, 0, 0)),
        ],
        out_specs=[
            pl.BlockSpec((1, 1, G, G, 4), lambda b, a: (b, a, 0, 0, 0)),
            pl.BlockSpec((1, 1, G, G), lambda b, a: (b, a, 0, 0)),
            pl.BlockSpec((1, 1, G, G, C), lambda b, a: (b, a, 0, 0, 0)),
        ],
        out_shape=[
            jax.ShapeDtypeStruct((B, A, G, G, 4), x.dtype),
            jax.ShapeDtypeStruct((B, A, G, G), x.dtype),
            jax.ShapeDtypeStruct((B, A, G, G, C), x.dtype),
        ],
    )(x)

    return (bbox, conf, cls_)

# --- scband reference (transcript-rebuilt; emitter-appended) ---
"""Pipeline reference for scband-yololayer-30932354466415 (READ-ONLY COPY).

The authoritative reference and input builder live on the scoring server;
editing this copy changes nothing except your own understanding.
"""

import jax, jax.numpy as jnp
import numpy as np

ANCHORS = np.array([[10.0, 13.0], [16.0, 30.0], [33.0, 23.0]], dtype=np.float32)
NUM_CLASSES = 80
IMG_SIZE = 608


def setup_inputs(seed: int = 0) -> dict:
    key = jax.random.key(seed)
    x = jax.random.normal(key, (32, 3 * (NUM_CLASSES + 5), 76, 76), dtype=jnp.float32)
    return {"x": x}


def reference(x):
    # inference path of YOLOLayer.forward (targets=None)
    B = x.shape[0]
    G = x.shape[2]
    A = ANCHORS.shape[0]
    C = NUM_CLASSES
    stride = IMG_SIZE / G
    pred = x.reshape(B, A, C + 5, G, G).transpose(0, 1, 3, 4, 2)
    cxcy = jax.nn.sigmoid(pred[..., :2])
    wh = pred[..., 2:4]
    pred_conf = pred[..., 4]
    pred_cls = pred[..., 5:]
    # grid offsets (torch.meshgrid default 'ij' indexing: y, x = meshgrid(t, t))
    t = jnp.arange(G)
    yy, xx = jnp.meshgrid(t, t, indexing='ij')
    grid_xy = jnp.stack((xx, yy), axis=-1).astype(x.dtype)[None, None]  # [1,1,G,G,2]
    scaled_anchors = jnp.asarray(ANCHORS) / stride
    grid_wh = scaled_anchors.reshape(1, A, 1, 1, 2)
    abs_cxcy = cxcy + grid_xy
    abs_wh = jnp.exp(wh) * grid_wh
    pred_bbox = jnp.concatenate((abs_cxcy, abs_wh), axis=-1)
    return (pred_bbox * stride, jax.nn.sigmoid(pred_conf), jax.nn.sigmoid(pred_cls))

if __name__ == "__main__":
    import jax
    _d = setup_inputs()
    print(jax.jit(kernel)(*tuple(_d.values())))

</pallas_src>

<mosaic_0001>
#map = affine_map<(d0, d1) -> (0, 0, 0, 0)>
module attributes {stable_mosaic.version = 14 : i64} {
  func.func @sc_conf(%arg0: i32, %arg1: i32, %arg2: memref<32x255x76x76xf32, #tpu.memory_space<hbm>>, %arg3: memref<32x3x76x76xf32, #tpu.memory_space<hbm>>, %arg4: memref<76x76xf32, #tpu.memory_space<vmem>>, %arg5: memref<76x76xf32, #tpu.memory_space<vmem>>) attributes {dimension_semantics = [#tpu.dimension_semantics<core_parallel>, #tpu.dimension_semantics<subcore_parallel>], iteration_bounds = array<i64: 2, 16>, scalar_prefetch = 0 : i64, scratch_operands = 2 : i64, tpu.core_type = #tpu.core_type<sc_vector_subcore>, window_params = [{transform_indices = #map}, {transform_indices = #map}]} {
    %mul3A = arith.constant 2 : i32
    %mul3A_0 = arith.muli %arg1, %mul3A : i32
    %add3A = arith.addi %mul3A_0, %arg0 : i32
    %mul3A_1 = arith.constant 3 : i32
    %mul3A_2 = arith.muli %add3A, %mul3A_1 : i32
    %add3A_3 = arith.constant 0 : i32
    %add3A_4 = arith.addi %mul3A_2, %add3A_3 : i32
    %jit3A = arith.constant 3 : i32
    %div3A = arith.divsi %add3A_4, %jit3A : i32
    %sign3A = arith.constant 0 : i32
    %sign3A_5 = arith.cmpi sgt, %add3A_4, %sign3A : i32
    %sign3A_6 = arith.extui %sign3A_5 : i1 to i32
    %sign3A_7 = arith.constant 0 : i32
    %sign3A_8 = arith.cmpi slt, %add3A_4, %sign3A_7 : i32
    %sign3A_9 = arith.extui %sign3A_8 : i1 to i32
    %sign3A_10 = arith.subi %sign3A_6, %sign3A_9 : i32
    %sign3A_11 = arith.constant 0 : i32
    %sign3A_12 = arith.cmpi sgt, %jit3A, %sign3A_11 : i32
    %sign3A_13 = arith.extui %sign3A_12 : i1 to i32
    %sign3A_14 = arith.constant 0 : i32
    %sign3A_15 = arith.cmpi slt, %jit3A, %sign3A_14 : i32
    %sign3A_16 = arith.extui %sign3A_15 : i1 to i32
    %sign3A_17 = arith.subi %sign3A_13, %sign3A_16 : i32
    %ne3A = arith.cmpi ne, %sign3A_10, %sign3A_17 : i32
    %rem3A = arith.remsi %add3A_4, %jit3A : i32
    %ne3A_18 = arith.constant 0 : i32
    %ne3A_19 = arith.cmpi ne, %rem3A, %ne3A_18 : i32
    %and3A = arith.andi %ne3A, %ne3A_19 : i1
    %sub3A = arith.constant 1 : i32
    %sub3A_20 = arith.subi %div3A, %sub3A : i32
    %select_n3A = arith.select %and3A, %sub3A_20, %div3A : i32
    %jit3A_21 = arith.constant 3 : i32
    %eq3A = arith.constant 0 : i32
    %eq3A_22 = arith.cmpi eq, %jit3A_21, %eq3A : i32
    %jit3A_23 = arith.constant 1 : i32
    %select_n3A_24 = arith.select %eq3A_22, %jit3A_23, %jit3A_21 : i32
    %rem3A_25 = arith.remsi %add3A_4, %select_n3A_24 : i32
    %ne3A_26 = arith.constant 0 : i32
    %ne3A_27 = arith.cmpi ne, %rem3A_25, %ne3A_26 : i32
    %lt3A = arith.constant 0 : i32
    %lt3A_28 = arith.cmpi slt, %rem3A_25, %lt3A : i32
    %lt3A_29 = arith.constant 0 : i32
    %lt3A_30 = arith.cmpi slt, %select_n3A_24, %lt3A_29 : i32
    %ne3A_31 = arith.xori %lt3A_28, %lt3A_30 : i1
    %and3A_32 = arith.andi %ne3A_31, %ne3A_27 : i1
    %add3A_33 = arith.addi %rem3A_25, %select_n3A_24 : i32
    %select_n3A_34 = arith.select %and3A_32, %add3A_33, %rem3A_25 : i32
    %mul3A_35 = arith.constant 85 : i32
    %mul3A_36 = arith.muli %mul3A_35, %select_n3A_34 : i32
    %add3A_37 = arith.constant 4 : i32
    %add3A_38 = arith.addi %mul3A_36, %add3A_37 : i32
    "tpu.region"() ({
      %run_scoped3A = tpu.sem_alloc : memref<!tpu.dma_semaphore, #tpu.memory_space<semaphore_mem>>
      %dma_start3A = arith.constant 0 : i32
      %dma_start3A_152 = arith.constant 0 : i32
      %dma_start3A_153 = tpu.memref_slice %arg2[%select_n3A, %add3A_38, %dma_start3A, %dma_start3A_152] : memref<32x255x76x76xf32, #tpu.memory_space<hbm>> -> memref<1x1x76x76xf32, #tpu.memory_space<hbm>>
      %dma_start3A_154 = tpu.memref_squeeze %dma_start3A_153 : memref<1x1x76x76xf32, #tpu.memory_space<hbm>> -> memref<76x76xf32, #tpu.memory_space<hbm>>
      %dma_start3A_155 = arith.constant 0 : i32
      %dma_start3A_156 = arith.constant 0 : i32
      %dma_start3A_157 = tpu.memref_slice %arg2[%select_n3A, %add3A_38, %dma_start3A_155, %dma_start3A_156] : memref<32x255x76x76xf32, #tpu.memory_space<hbm>> -> memref<1x1x76x76xf32, #tpu.memory_space<hbm>>
      %dma_start3A_158 = tpu.memref_squeeze %dma_start3A_157 : memref<1x1x76x76xf32, #tpu.memory_space<hbm>> -> memref<76x76xf32, #tpu.memory_space<hbm>>
      tpu.enqueue_dma source(%dma_start3A_158 : memref<76x76xf32, #tpu.memory_space<hbm>>) target(%arg4 : memref<76x76xf32, #tpu.memory_space<vmem>>) target_semaphore(%run_scoped3A : memref<!tpu.dma_semaphore, #tpu.memory_space<semaphore_mem>>)
      %dma_wait3A = arith.constant 0 : i32
      %dma_wait3A_159 = arith.constant 0 : i32
      %dma_wait3A_160 = tpu.memref_slice %arg2[%select_n3A, %add3A_38, %dma_wait3A, %dma_wait3A_159] : memref<32x255x76x76xf32, #tpu.memory_space<hbm>> -> memref<1x1x76x76xf32, #tpu.memory_space<hbm>>
      %dma_wait3A_161 = tpu.memref_squeeze %dma_wait3A_160 : memref<1x1x76x76xf32, #tpu.memory_space<hbm>> -> memref<76x76xf32, #tpu.memory_space<hbm>>
      %dma_wait3A_162 = arith.constant 0 : i32
      %dma_wait3A_163 = arith.constant 0 : i32
      %dma_wait3A_164 = tpu.memref_slice %arg2[%select_n3A, %add3A_38, %dma_wait3A_162, %dma_wait3A_163] : memref<32x255x76x76xf32, #tpu.memory_space<hbm>> -> memref<1x1x76x76xf32, #tpu.memory_space<hbm>>
      %dma_wait3A_165 = tpu.memref_squeeze %dma_wait3A_164 : memref<1x1x76x76xf32, #tpu.memory_space<hbm>> -> memref<76x76xf32, #tpu.memory_space<hbm>>
      tpu.wait_dma2 semaphore(%run_scoped3A : memref<!tpu.dma_semaphore, #tpu.memory_space<semaphore_mem>>) src(%dma_wait3A_165 : memref<76x76xf32, #tpu.memory_space<hbm>>) dst(%arg4 : memref<76x76xf32, #tpu.memory_space<vmem>>)
      tpu.yield
    }) : () -> ()
    %scan3A = arith.constant 0 : i32
    %scan3A_39 = arith.constant 0 : i32
    %scan3A_40 = arith.constant 76 : i32
    %scan3A_41 = arith.addi %scan3A_39, %scan3A_40 : i32
    %scan3A_42 = arith.constant 1 : i32
    scf.for %scan3A_152 = %scan3A_39 to %scan3A_41 step %scan3A_42  : i32 {
      %get3A = arith.index_cast %scan3A_152 : i32 to index
      %get3A_153 = arith.constant 0 : index
      %get3A_154 = tpu.vector_load %arg4[%get3A, %get3A_153] {strides = array<i32>} : memref<76x76xf32, #tpu.memory_space<vmem>>, vector<1x16xf32>,
      %get3A_155 = vector.shape_cast %get3A_154 : vector<1x16xf32> to vector<16xf32>
      %neg3A = arith.constant 0.000000e+00 : f32
      %neg3A_156 = vector.broadcast %neg3A : f32 to vector<16xf32>
      %neg3A_157 = arith.subf %neg3A_156, %get3A_155 : vector<16xf32>
      %exp3A = math.exp %neg3A_157 : vector<16xf32>
      %add3A_158 = arith.constant 1.000000e+00 : f32
      %add3A_159 = vector.broadcast %add3A_158 : f32 to vector<16xf32>
      %add3A_160 = arith.addf %add3A_159, %exp3A : vector<16xf32>
      %div3A_161 = arith.constant 1.000000e+00 : f32
      %div3A_162 = vector.broadcast %div3A_161 : f32 to vector<16xf32>
      %div3A_163 = arith.divf %div3A_162, %add3A_160 : vector<16xf32>
      %swap3A = arith.index_cast %scan3A_152 : i32 to index
      %swap3A_164 = arith.constant 0 : index
      %swap3A_165 = tpu.vector_load %arg5[%swap3A, %swap3A_164] {strides = array<i32>} : memref<76x76xf32, #tpu.memory_space<vmem>>, vector<1x16xf32>,
      %swap3A_166 = vector.shape_cast %swap3A_165 : vector<1x16xf32> to vector<16xf32>
      %swap3A_167 = vector.shape_cast %div3A_163 : vector<16xf32> to vector<1x16xf32>
      tpu.vector_store %arg5[%swap3A, %swap3A_164], %swap3A_167 {strides = array<i32>} : memref<76x76xf32, #tpu.memory_space<vmem>>, vector<1x16xf32>,
      %get3A_168 = arith.index_cast %scan3A_152 : i32 to index
      %get3A_169 = arith.constant 16 : index
      %get3A_170 = tpu.vector_load %arg4[%get3A_168, %get3A_169] {strides = array<i32>} : memref<76x76xf32, #tpu.memory_space<vmem>>, vector<1x16xf32>,
      %get3A_171 = vector.shape_cast %get3A_170 : vector<1x16xf32> to vector<16xf32>
      %neg3A_172 = arith.constant 0.000000e+00 : f32
      %neg3A_173 = vector.broadcast %neg3A_172 : f32 to vector<16xf32>
      %neg3A_174 = arith.subf %neg3A_173, %get3A_171 : vector<16xf32>
      %exp3A_175 = math.exp %neg3A_174 : vector<16xf32>
      %add3A_176 = arith.constant 1.000000e+00 : f32
      %add3A_177 = vector.broadcast %add3A_176 : f32 to vector<16xf32>
      %add3A_178 = arith.addf %add3A_177, %exp3A_175 : vector<16xf32>
      %div3A_179 = arith.constant 1.000000e+00 : f32
      %div3A_180 = vector.broadcast %div3A_179 : f32 to vector<16xf32>
      %div3A_181 = arith.divf %div3A_180, %add3A_178 : vector<16xf32>
      %swap3A_182 = arith.index_cast %scan3A_152 : i32 to index
      %swap3A_183 = arith.constant 16 : index
      %swap3A_184 = tpu.vector_load %arg5[%swap3A_182, %swap3A_183] {strides = array<i32>} : memref<76x76xf32, #tpu.memory_space<vmem>>, vector<1x16xf32>,
      %swap3A_185 = vector.shape_cast %swap3A_184 : vector<1x16xf32> to vector<16xf32>
      %swap3A_186 = vector.shape_cast %div3A_181 : vector<16xf32> to vector<1x16xf32>
      tpu.vector_store %arg5[%swap3A_182, %swap3A_183], %swap3A_186 {strides = array<i32>} : memref<76x76xf32, #tpu.memory_space<vmem>>, vector<1x16xf32>,
      %get3A_187 = arith.index_cast %scan3A_152 : i32 to index
      %get3A_188 = arith.constant 32 : index
      %get3A_189 = tpu.vector_load %arg4[%get3A_187, %get3A_188] {strides = array<i32>} : memref<76x76xf32, #tpu.memory_space<vmem>>, vector<1x16xf32>,
      %get3A_190 = vector.shape_cast %get3A_189 : vector<1x16xf32> to vector<16xf32>
      %neg3A_191 = arith.constant 0.000000e+00 : f32
      %neg3A_192 = vector.broadcast %neg3A_191 : f32 to vector<16xf32>
      %neg3A_193 = arith.subf %neg3A_192, %get3A_190 : vector<16xf32>
      %exp3A_194 = math.exp %neg3A_193 : vector<16xf32>
      %add3A_195 = arith.constant 1.000000e+00 : f32
      %add3A_196 = vector.broadcast %add3A_195 : f32 to vector<16xf32>
      %add3A_197 = arith.addf %add3A_196, %exp3A_194 : vector<16xf32>
      %div3A_198 = arith.constant 1.000000e+00 : f32
      %div3A_199 = vector.broadcast %div3A_198 : f32 to vector<16xf32>
      %div3A_200 = arith.divf %div3A_199, %add3A_197 : vector<16xf32>
      %swap3A_201 = arith.index_cast %scan3A_152 : i32 to index
      %swap3A_202 = arith.constant 32 : index
      %swap3A_203 = tpu.vector_load %arg5[%swap3A_201, %swap3A_202] {strides = array<i32>} : memref<76x76xf32, #tpu.memory_space<vmem>>, vector<1x16xf32>,
      %swap3A_204 = vector.shape_cast %swap3A_203 : vector<1x16xf32> to vector<16xf32>
      %swap3A_205 = vector.shape_cast %div3A_200 : vector<16xf32> to vector<1x16xf32>
      tpu.vector_store %arg5[%swap3A_201, %swap3A_202], %swap3A_205 {strides = array<i32>} : memref<76x76xf32, #tpu.memory_space<vmem>>, vector<1x16xf32>,
      %get3A_206 = arith.index_cast %scan3A_152 : i32 to index
      %get3A_207 = arith.constant 48 : index
      %get3A_208 = tpu.vector_load %arg4[%get3A_206, %get3A_207] {strides = array<i32>} : memref<76x76xf32, #tpu.memory_space<vmem>>, vector<1x16xf32>,
      %get3A_209 = vector.shape_cast %get3A_208 : vector<1x16xf32> to vector<16xf32>
      %neg3A_210 = arith.constant 0.000000e+00 : f32
      %neg3A_211 = vector.broadcast %neg3A_210 : f32 to vector<16xf32>
      %neg3A_212 = arith.subf %neg3A_211, %get3A_209 : vector<16xf32>
      %exp3A_213 = math.exp %neg3A_212 : vector<16xf32>
      %add3A_214 = arith.constant 1.000000e+00 : f32
      %add3A_215 = vector.broadcast %add3A_214 : f32 to vector<16xf32>
      %add3A_216 = arith.addf %add3A_215, %exp3A_213 : vector<16xf32>
      %div3A_217 = arith.constant 1.000000e+00 : f32
      %div3A_218 = vector.broadcast %div3A_217 : f32 to vector<16xf32>
      %div3A_219 = arith.divf %div3A_218, %add3A_216 : vector<16xf32>
      %swap3A_220 = arith.index_cast %scan3A_152 : i32 to index
      %swap3A_221 = arith.constant 48 : index
      %swap3A_222 = tpu.vector_load %arg5[%swap3A_220, %swap3A_221] {strides = array<i32>} : memref<76x76xf32, #tpu.memory_space<vmem>>, vector<1x16xf32>,
      %swap3A_223 = vector.shape_cast %swap3A_222 : vector<1x16xf32> to vector<16xf32>
      %swap3A_224 = vector.shape_cast %div3A_219 : vector<16xf32> to vector<1x16xf32>
      tpu.vector_store %arg5[%swap3A_220, %swap3A_221], %swap3A_224 {strides = array<i32>} : memref<76x76xf32, #tpu.memory_space<vmem>>, vector<1x16xf32>,
      %get3A_225 = arith.index_cast %scan3A_152 : i32 to index
      %get3A_226 = arith.constant 60 : index
      %get3A_227 = tpu.vector_load %arg4[%get3A_225, %get3A_226] {strides = array<i32>} : memref<76x76xf32, #tpu.memory_space<vmem>>, vector<1x16xf32>,
      %get3A_228 = vector.shape_cast %get3A_227 : vector<1x16xf32> to vector<16xf32>
      %neg3A_229 = arith.constant 0.000000e+00 : f32
      %neg3A_230 = vector.broadcast %neg3A_229 : f32 to vector<16xf32>
      %neg3A_231 = arith.subf %neg3A_230, %get3A_228 : vector<16xf32>
      %exp3A_232 = math.exp %neg3A_231 : vector<16xf32>
      %add3A_233 = arith.constant 1.000000e+00 : f32
      %add3A_234 = vector.broadcast %add3A_233 : f32 to vector<16xf32>
      %add3A_235 = arith.addf %add3A_234, %exp3A_232 : vector<16xf32>
      %div3A_236 = arith.constant 1.000000e+00 : f32
      %div3A_237 = vector.broadcast %div3A_236 : f32 to vector<16xf32>
      %div3A_238 = arith.divf %div3A_237, %add3A_235 : vector<16xf32>
      %swap3A_239 = arith.index_cast %scan3A_152 : i32 to index
      %swap3A_240 = arith.constant 60 : index
      %swap3A_241 = tpu.vector_load %arg5[%swap3A_239, %swap3A_240] {strides = array<i32>} : memref<76x76xf32, #tpu.memory_space<vmem>>, vector<1x16xf32>,
      %swap3A_242 = vector.shape_cast %swap3A_241 : vector<1x16xf32> to vector<16xf32>
      %swap3A_243 = vector.shape_cast %div3A_238 : vector<16xf32> to vector<1x16xf32>
      tpu.vector_store %arg5[%swap3A_239, %swap3A_240], %swap3A_243 {strides = array<i32>} : memref<76x76xf32, #tpu.memory_space<vmem>>, vector<1x16xf32>,
    }
    %scan3A_43 = arith.constant 76 : i32
    "tpu.region"() ({
      %run_scoped3A = tpu.sem_alloc : memref<!tpu.dma_semaphore, #tpu.memory_space<semaphore_mem>>
      %dma_start3A = arith.constant 0 : i32
      %dma_start3A_152 = arith.constant 0 : i32
      %dma_start3A_153 = tpu.memref_slice %arg3[%select_n3A, %select_n3A_34, %dma_start3A, %dma_start3A_152] : memref<32x3x76x76xf32, #tpu.memory_space<hbm>> -> memref<1x1x76x76xf32, #tpu.memory_space<hbm>>
      %dma_start3A_154 = tpu.memref_squeeze %dma_start3A_153 : memref<1x1x76x76xf32, #tpu.memory_space<hbm>> -> memref<76x76xf32, #tpu.memory_space<hbm>>
      %dma_start3A_155 = arith.constant 0 : i32
      %dma_start3A_156 = arith.constant 0 : i32
      %dma_start3A_157 = tpu.memref_slice %arg3[%select_n3A, %select_n3A_34, %dma_start3A_155, %dma_start3A_156] : memref<32x3x76x76xf32, #tpu.memory_space<hbm>> -> memref<1x1x76x76xf32, #tpu.memory_space<hbm>>
      %dma_start3A_158 = tpu.memref_squeeze %dma_start3A_157 : memref<1x1x76x76xf32, #tpu.memory_space<hbm>> -> memref<76x76xf32, #tpu.memory_space<hbm>>
      tpu.enqueue_dma source(%arg5 : memref<76x76xf32, #tpu.memory_space<vmem>>) target(%dma_start3A_158 : memref<76x76xf32, #tpu.memory_space<hbm>>) target_semaphore(%run_scoped3A : memref<!tpu.dma_semaphore, #tpu.memory_space<semaphore_mem>>)
      %dma_wait3A = arith.constant 0 : i32
      %dma_wait3A_159 = arith.constant 0 : i32
      %dma_wait3A_160 = tpu.memref_slice %arg3[%select_n3A, %select_n3A_34, %dma_wait3A, %dma_wait3A_159] : memref<32x3x76x76xf32, #tpu.memory_space<hbm>> -> memref<1x1x76x76xf32, #tpu.memory_space<hbm>>
      %dma_wait3A_161 = tpu.memref_squeeze %dma_wait3A_160 : memref<1x1x76x76xf32, #tpu.memory_space<hbm>> -> memref<76x76xf32, #tpu.memory_space<hbm>>
      %dma_wait3A_162 = arith.constant 0 : i32
      %dma_wait3A_163 = arith.constant 0 : i32
      %dma_wait3A_164 = tpu.memref_slice %arg3[%select_n3A, %select_n3A_34, %dma_wait3A_162, %dma_wait3A_163] : memref<32x3x76x76xf32, #tpu.memory_space<hbm>> -> memref<1x1x76x76xf32, #tpu.memory_space<hbm>>
      %dma_wait3A_165 = tpu.memref_squeeze %dma_wait3A_164 : memref<1x1x76x76xf32, #tpu.memory_space<hbm>> -> memref<76x76xf32, #tpu.memory_space<hbm>>
      tpu.wait_dma2 semaphore(%run_scoped3A : memref<!tpu.dma_semaphore, #tpu.memory_space<semaphore_mem>>) src(%arg5 : memref<76x76xf32, #tpu.memory_space<vmem>>) dst(%dma_wait3A_165 : memref<76x76xf32, #tpu.memory_space<hbm>>)
      tpu.yield
    }) : () -> ()
    %mul3A_44 = arith.constant 3 : i32
    %mul3A_45 = arith.muli %add3A, %mul3A_44 : i32
    %add3A_46 = arith.constant 1 : i32
    %add3A_47 = arith.addi %mul3A_45, %add3A_46 : i32
    %jit3A_48 = arith.constant 3 : i32
    %div3A_49 = arith.divsi %add3A_47, %jit3A_48 : i32
    %sign3A_50 = arith.constant 0 : i32
    %sign3A_51 = arith.cmpi sgt, %add3A_47, %sign3A_50 : i32
    %sign3A_52 = arith.extui %sign3A_51 : i1 to i32
    %sign3A_53 = arith.constant 0 : i32
    %sign3A_54 = arith.cmpi slt, %add3A_47, %sign3A_53 : i32
    %sign3A_55 = arith.extui %sign3A_54 : i1 to i32
    %sign3A_56 = arith.subi %sign3A_52, %sign3A_55 : i32
    %sign3A_57 = arith.constant 0 : i32
    %sign3A_58 = arith.cmpi sgt, %jit3A_48, %sign3A_57 : i32
    %sign3A_59 = arith.extui %sign3A_58 : i1 to i32
    %sign3A_60 = arith.constant 0 : i32
    %sign3A_61 = arith.cmpi slt, %jit3A_48, %sign3A_60 : i32
    %sign3A_62 = arith.extui %sign3A_61 : i1 to i32
    %sign3A_63 = arith.subi %sign3A_59, %sign3A_62 : i32
    %ne3A_64 = arith.cmpi ne, %sign3A_56, %sign3A_63 : i32
    %rem3A_65 = arith.remsi %add3A_47, %jit3A_48 : i32
    %ne3A_66 = arith.constant 0 : i32
    %ne3A_67 = arith.cmpi ne, %rem3A_65, %ne3A_66 : i32
    %and3A_68 = arith.andi %ne3A_64, %ne3A_67 : i1
    %sub3A_69 = arith.constant 1 : i32
    %sub3A_70 = arith.subi %div3A_49, %sub3A_69 : i32
    %select_n3A_71 = arith.select %and3A_68, %sub3A_70, %div3A_49 : i32
    %jit3A_72 = arith.constant 3 : i32
    %eq3A_73 = arith.constant 0 : i32
    %eq3A_74 = arith.cmpi eq, %jit3A_72, %eq3A_73 : i32
    %jit3A_75 = arith.constant 1 : i32
    %select_n3A_76 = arith.select %eq3A_74, %jit3A_75, %jit3A_72 : i32
    %rem3A_77 = arith.remsi %add3A_47, %select_n3A_76 : i32
    %ne3A_78 = arith.constant 0 : i32
    %ne3A_79 = arith.cmpi ne, %rem3A_77, %ne3A_78 : i32
    %lt3A_80 = arith.constant 0 : i32
    %lt3A_81 = arith.cmpi slt, %rem3A_77, %lt3A_80 : i32
    %lt3A_82 = arith.constant 0 : i32
    %lt3A_83 = arith.cmpi slt, %select_n3A_76, %lt3A_82 : i32
    %ne3A_84 = arith.xori %lt3A_81, %lt3A_83 : i1
    %and3A_85 = arith.andi %ne3A_84, %ne3A_79 : i1
    %add3A_86 = arith.addi %rem3A_77, %select_n3A_76 : i32
    %select_n3A_87 = arith.select %and3A_85, %add3A_86, %rem3A_77 : i32
    %mul3A_88 = arith.constant 85 : i32
    %mul3A_89 = arith.muli %mul3A_88, %select_n3A_87 : i32
    %add3A_90 = arith.constant 4 : i32
    %add3A_91 = arith.addi %mul3A_89, %add3A_90 : i32
    "tpu.region"() ({
      %run_scoped3A = tpu.sem_alloc : memref<!tpu.dma_semaphore, #tpu.memory_space<semaphore_mem>>
      %dma_start3A = arith.constant 0 : i32
      %dma_start3A_152 = arith.constant 0 : i32
      %dma_start3A_153 = tpu.memref_slice %arg2[%select_n3A_71, %add3A_91, %dma_start3A, %dma_start3A_152] : memref<32x255x76x76xf32, #tpu.memory_space<hbm>> -> memref<1x1x76x76xf32, #tpu.memory_space<hbm>>
      %dma_start3A_154 = tpu.memref_squeeze %dma_start3A_153 : memref<1x1x76x76xf32, #tpu.memory_space<hbm>> -> memref<76x76xf32, #tpu.memory_space<hbm>>
      %dma_start3A_155 = arith.constant 0 : i32
      %dma_start3A_156 = arith.constant 0 : i32
      %dma_start3A_157 = tpu.memref_slice %arg2[%select_n3A_71, %add3A_91, %dma_start3A_155, %dma_start3A_156] : memref<32x255x76x76xf32, #tpu.memory_space<hbm>> -> memref<1x1x76x76xf32, #tpu.memory_space<hbm>>
      %dma_start3A_158 = tpu.memref_squeeze %dma_start3A_157 : memref<1x1x76x76xf32, #tpu.memory_space<hbm>> -> memref<76x76xf32, #tpu.memory_space<hbm>>
      tpu.enqueue_dma source(%dma_start3A_158 : memref<76x76xf32, #tpu.memory_space<hbm>>) target(%arg4 : memref<76x76xf32, #tpu.memory_space<vmem>>) target_semaphore(%run_scoped3A : memref<!tpu.dma_semaphore, #tpu.memory_space<semaphore_mem>>)
      %dma_wait3A = arith.constant 0 : i32
      %dma_wait3A_159 = arith.constant 0 : i32
      %dma_wait3A_160 = tpu.memref_slice %arg2[%select_n3A_71, %add3A_91, %dma_wait3A, %dma_wait3A_159] : memref<32x255x76x76xf32, #tpu.memory_space<hbm>> -> memref<1x1x76x76xf32, #tpu.memory_space<hbm>>
      %dma_wait3A_161 = tpu.memref_squeeze %dma_wait3A_160 : memref<1x1x76x76xf32, #tpu.memory_space<hbm>> -> memref<76x76xf32, #tpu.memory_space<hbm>>
      %dma_wait3A_162 = arith.constant 0 : i32
      %dma_wait3A_163 = arith.constant 0 : i32
      %dma_wait3A_164 = tpu.memref_slice %arg2[%select_n3A_71, %add3A_91, %dma_wait3A_162, %dma_wait3A_163] : memref<32x255x76x76xf32, #tpu.memory_space<hbm>> -> memref<1x1x76x76xf32, #tpu.memory_space<hbm>>
      %dma_wait3A_165 = tpu.memref_squeeze %dma_wait3A_164 : memref<1x1x76x76xf32, #tpu.memory_space<hbm>> -> memref<76x76xf32, #tpu.memory_space<hbm>>
      tpu.wait_dma2 semaphore(%run_scoped3A : memref<!tpu.dma_semaphore, #tpu.memory_space<semaphore_mem>>) src(%dma_wait3A_165 : memref<76x76xf32, #tpu.memory_space<hbm>>) dst(%arg4 : memref<76x76xf32, #tpu.memory_space<vmem>>)
      tpu.yield
    }) : () -> ()
    %scan3A_92 = arith.constant 0 : i32
    %scan3A_93 = arith.constant 0 : i32
    %scan3A_94 = arith.constant 76 : i32
    %scan3A_95 = arith.addi %scan3A_93, %scan3A_94 : i32
    %scan3A_96 = arith.constant 1 : i32
    scf.for %scan3A_152 = %scan3A_93 to %scan3A_95 step %scan3A_96  : i32 {
      %get3A = arith.index_cast %scan3A_152 : i32 to index
      %get3A_153 = arith.constant 0 : index
      %get3A_154 = tpu.vector_load %arg4[%get3A, %get3A_153] {strides = array<i32>} : memref<76x76xf32, #tpu.memory_space<vmem>>, vector<1x16xf32>,
      %get3A_155 = vector.shape_cast %get3A_154 : vector<1x16xf32> to vector<16xf32>
      %neg3A = arith.constant 0.000000e+00 : f32
      %neg3A_156 = vector.broadcast %neg3A : f32 to vector<16xf32>
      %neg3A_157 = arith.subf %neg3A_156, %get3A_155 : vector<16xf32>
      %exp3A = math.exp %neg3A_157 : vector<16xf32>
      %add3A_158 = arith.constant 1.000000e+00 : f32
      %add3A_159 = vector.broadcast %add3A_158 : f32 to vector<16xf32>
      %add3A_160 = arith.addf %add3A_159, %exp3A : vector<16xf32>
      %div3A_161 = arith.constant 1.000000e+00 : f32
      %div3A_162 = vector.broadcast %div3A_161 : f32 to vector<16xf32>
      %div3A_163 = arith.divf %div3A_162, %add3A_160 : vector<16xf32>
      %swap3A = arith.index_cast %scan3A_152 : i32 to index
      %swap3A_164 = arith.constant 0 : index
      %swap3A_165 = tpu.vector_load %arg5[%swap3A, %swap3A_164] {strides = array<i32>} : memref<76x76xf32, #tpu.memory_space<vmem>>, vector<1x16xf32>,
      %swap3A_166 = vector.shape_cast %swap3A_165 : vector<1x16xf32> to vector<16xf32>
      %swap3A_167 = vector.shape_cast %div3A_163 : vector<16xf32> to vector<1x16xf32>
      tpu.vector_store %arg5[%swap3A, %swap3A_164], %swap3A_167 {strides = array<i32>} : memref<76x76xf32, #tpu.memory_space<vmem>>, vector<1x16xf32>,
      %get3A_168 = arith.index_cast %scan3A_152 : i32 to index
      %get3A_169 = arith.constant 16 : index
      %get3A_170 = tpu.vector_load %arg4[%get3A_168, %get3A_169] {strides = array<i32>} : memref<76x76xf32, #tpu.memory_space<vmem>>, vector<1x16xf32>,
      %get3A_171 = vector.shape_cast %get3A_170 : vector<1x16xf32> to vector<16xf32>
      %neg3A_172 = arith.constant 0.000000e+00 : f32
      %neg3A_173 = vector.broadcast %neg3A_172 : f32 to vector<16xf32>
      %neg3A_174 = arith.subf %neg3A_173, %get3A_171 : vector<16xf32>
      %exp3A_175 = math.exp %neg3A_174 : vector<16xf32>
      %add3A_176 = arith.constant 1.000000e+00 : f32
      %add3A_177 = vector.broadcast %add3A_176 : f32 to vector<16xf32>
      %add3A_178 = arith.addf %add3A_177, %exp3A_175 : vector<16xf32>
      %div3A_179 = arith.constant 1.000000e+00 : f32
      %div3A_180 = vector.broadcast %div3A_179 : f32 to vector<16xf32>
      %div3A_181 = arith.divf %div3A_180, %add3A_178 : vector<16xf32>
      %swap3A_182 = arith.index_cast %scan3A_152 : i32 to index
      %swap3A_183 = arith.constant 16 : index
      %swap3A_184 = tpu.vector_load %arg5[%swap3A_182, %swap3A_183] {strides = array<i32>} : memref<76x76xf32, #tpu.memory_space<vmem>>, vector<1x16xf32>,
      %swap3A_185 = vector.shape_cast %swap3A_184 : vector<1x16xf32> to vector<16xf32>
      %swap3A_186 = vector.shape_cast %div3A_181 : vector<16xf32> to vector<1x16xf32>
      tpu.vector_store %arg5[%swap3A_182, %swap3A_183], %swap3A_186 {strides = array<i32>} : memref<76x76xf32, #tpu.memory_space<vmem>>, vector<1x16xf32>,
      %get3A_187 = arith.index_cast %scan3A_152 : i32 to index
      %get3A_188 = arith.constant 32 : index
      %get3A_189 = tpu.vector_load %arg4[%get3A_187, %get3A_188] {strides = array<i32>} : memref<76x76xf32, #tpu.memory_space<vmem>>, vector<1x16xf32>,
      %get3A_190 = vector.shape_cast %get3A_189 : vector<1x16xf32> to vector<16xf32>
      %neg3A_191 = arith.constant 0.000000e+00 : f32
      %neg3A_192 = vector.broadcast %neg3A_191 : f32 to vector<16xf32>
      %neg3A_193 = arith.subf %neg3A_192, %get3A_190 : vector<16xf32>
      %exp3A_194 = math.exp %neg3A_193 : vector<16xf32>
      %add3A_195 = arith.constant 1.000000e+00 : f32
      %add3A_196 = vector.broadcast %add3A_195 : f32 to vector<16xf32>
      %add3A_197 = arith.addf %add3A_196, %exp3A_194 : vector<16xf32>
      %div3A_198 = arith.constant 1.000000e+00 : f32
      %div3A_199 = vector.broadcast %div3A_198 : f32 to vector<16xf32>
      %div3A_200 = arith.divf %div3A_199, %add3A_197 : vector<16xf32>
      %swap3A_201 = arith.index_cast %scan3A_152 : i32 to index
      %swap3A_202 = arith.constant 32 : index
      %swap3A_203 = tpu.vector_load %arg5[%swap3A_201, %swap3A_202] {strides = array<i32>} : memref<76x76xf32, #tpu.memory_space<vmem>>, vector<1x16xf32>,
      %swap3A_204 = vector.shape_cast %swap3A_203 : vector<1x16xf32> to vector<16xf32>
      %swap3A_205 = vector.shape_cast %div3A_200 : vector<16xf32> to vector<1x16xf32>
      tpu.vector_store %arg5[%swap3A_201, %swap3A_202], %swap3A_205 {strides = array<i32>} : memref<76x76xf32, #tpu.memory_space<vmem>>, vector<1x16xf32>,
      %get3A_206 = arith.index_cast %scan3A_152 : i32 to index
      %get3A_207 = arith.constant 48 : index
      %get3A_208 = tpu.vector_load %arg4[%get3A_206, %get3A_207] {strides = array<i32>} : memref<76x76xf32, #tpu.memory_space<vmem>>, vector<1x16xf32>,
      %get3A_209 = vector.shape_cast %get3A_208 : vector<1x16xf32> to vector<16xf32>
      %neg3A_210 = arith.constant 0.000000e+00 : f32
      %neg3A_211 = vector.broadcast %neg3A_210 : f32 to vector<16xf32>
      %neg3A_212 = arith.subf %neg3A_211, %get3A_209 : vector<16xf32>
      %exp3A_213 = math.exp %neg3A_212 : vector<16xf32>
      %add3A_214 = arith.constant 1.000000e+00 : f32
      %add3A_215 = vector.broadcast %add3A_214 : f32 to vector<16xf32>
      %add3A_216 = arith.addf %add3A_215, %exp3A_213 : vector<16xf32>
      %div3A_217 = arith.constant 1.000000e+00 : f32
      %div3A_218 = vector.broadcast %div3A_217 : f32 to vector<16xf32>
      %div3A_219 = arith.divf %div3A_218, %add3A_216 : vector<16xf32>
      %swap3A_220 = arith.index_cast %scan3A_152 : i32 to index
      %swap3A_221 = arith.constant 48 : index
      %swap3A_222 = tpu.vector_load %arg5[%swap3A_220, %swap3A_221] {strides = array<i32>} : memref<76x76xf32, #tpu.memory_space<vmem>>, vector<1x16xf32>,
      %swap3A_223 = vector.shape_cast %swap3A_222 : vector<1x16xf32> to vector<16xf32>
      %swap3A_224 = vector.shape_cast %div3A_219 : vector<16xf32> to vector<1x16xf32>
      tpu.vector_store %arg5[%swap3A_220, %swap3A_221], %swap3A_224 {strides = array<i32>} : memref<76x76xf32, #tpu.memory_space<vmem>>, vector<1x16xf32>,
      %get3A_225 = arith.index_cast %scan3A_152 : i32 to index
      %get3A_226 = arith.constant 60 : index
      %get3A_227 = tpu.vector_load %arg4[%get3A_225, %get3A_226] {strides = array<i32>} : memref<76x76xf32, #tpu.memory_space<vmem>>, vector<1x16xf32>,
      %get3A_228 = vector.shape_cast %get3A_227 : vector<1x16xf32> to vector<16xf32>
      %neg3A_229 = arith.constant 0.000000e+00 : f32
      %neg3A_230 = vector.broadcast %neg3A_229 : f32 to vector<16xf32>
      %neg3A_231 = arith.subf %neg3A_230, %get3A_228 : vector<16xf32>
      %exp3A_232 = math.exp %neg3A_231 : vector<16xf32>
      %add3A_233 = arith.constant 1.000000e+00 : f32
      %add3A_234 = vector.broadcast %add3A_233 : f32 to vector<16xf32>
      %add3A_235 = arith.addf %add3A_234, %exp3A_232 : vector<16xf32>
      %div3A_236 = arith.constant 1.000000e+00 : f32
      %div3A_237 = vector.broadcast %div3A_236 : f32 to vector<16xf32>
      %div3A_238 = arith.divf %div3A_237, %add3A_235 : vector<16xf32>
      %swap3A_239 = arith.index_cast %scan3A_152 : i32 to index
      %swap3A_240 = arith.constant 60 : index
      %swap3A_241 = tpu.vector_load %arg5[%swap3A_239, %swap3A_240] {strides = array<i32>} : memref<76x76xf32, #tpu.memory_space<vmem>>, vector<1x16xf32>,
      %swap3A_242 = vector.shape_cast %swap3A_241 : vector<1x16xf32> to vector<16xf32>
      %swap3A_243 = vector.shape_cast %div3A_238 : vector<16xf32> to vector<1x16xf32>
      tpu.vector_store %arg5[%swap3A_239, %swap3A_240], %swap3A_243 {strides = array<i32>} : memref<76x76xf32, #tpu.memory_space<vmem>>, vector<1x16xf32>,
    }
    %scan3A_97 = arith.constant 76 : i32
    "tpu.region"() ({
      %run_scoped3A = tpu.sem_alloc : memref<!tpu.dma_semaphore, #tpu.memory_space<semaphore_mem>>
      %dma_start3A = arith.constant 0 : i32
      %dma_start3A_152 = arith.constant 0 : i32
      %dma_start3A_153 = tpu.memref_slice %arg3[%select_n3A_71, %select_n3A_87, %dma_start3A, %dma_start3A_152] : memref<32x3x76x76xf32, #tpu.memory_space<hbm>> -> memref<1x1x76x76xf32, #tpu.memory_space<hbm>>
      %dma_start3A_154 = tpu.memref_squeeze %dma_start3A_153 : memref<1x1x76x76xf32, #tpu.memory_space<hbm>> -> memref<76x76xf32, #tpu.memory_space<hbm>>
      %dma_start3A_155 = arith.constant 0 : i32
      %dma_start3A_156 = arith.constant 0 : i32
      %dma_start3A_157 = tpu.memref_slice %arg3[%select_n3A_71, %select_n3A_87, %dma_start3A_155, %dma_start3A_156] : memref<32x3x76x76xf32, #tpu.memory_space<hbm>> -> memref<1x1x76x76xf32, #tpu.memory_space<hbm>>
      %dma_start3A_158 = tpu.memref_squeeze %dma_start3A_157 : memref<1x1x76x76xf32, #tpu.memory_space<hbm>> -> memref<76x76xf32, #tpu.memory_space<hbm>>
      tpu.enqueue_dma source(%arg5 : memref<76x76xf32, #tpu.memory_space<vmem>>) target(%dma_start3A_158 : memref<76x76xf32, #tpu.memory_space<hbm>>) target_semaphore(%run_scoped3A : memref<!tpu.dma_semaphore, #tpu.memory_space<semaphore_mem>>)
      %dma_wait3A = arith.constant 0 : i32
      %dma_wait3A_159 = arith.constant 0 : i32
      %dma_wait3A_160 = tpu.memref_slice %arg3[%select_n3A_71, %select_n3A_87, %dma_wait3A, %dma_wait3A_159] : memref<32x3x76x76xf32, #tpu.memory_space<hbm>> -> memref<1x1x76x76xf32, #tpu.memory_space<hbm>>
      %dma_wait3A_161 = tpu.memref_squeeze %dma_wait3A_160 : memref<1x1x76x76xf32, #tpu.memory_space<hbm>> -> memref<76x76xf32, #tpu.memory_space<hbm>>
      %dma_wait3A_162 = arith.constant 0 : i32
      %dma_wait3A_163 = arith.constant 0 : i32
      %dma_wait3A_164 = tpu.memref_slice %arg3[%select_n3A_71, %select_n3A_87, %dma_wait3A_162, %dma_wait3A_163] : memref<32x3x76x76xf32, #tpu.memory_space<hbm>> -> memref<1x1x76x76xf32, #tpu.memory_space<hbm>>
      %dma_wait3A_165 = tpu.memref_squeeze %dma_wait3A_164 : memref<1x1x76x76xf32, #tpu.memory_space<hbm>> -> memref<76x76xf32, #tpu.memory_space<hbm>>
      tpu.wait_dma2 semaphore(%run_scoped3A : memref<!tpu.dma_semaphore, #tpu.memory_space<semaphore_mem>>) src(%arg5 : memref<76x76xf32, #tpu.memory_space<vmem>>) dst(%dma_wait3A_165 : memref<76x76xf32, #tpu.memory_space<hbm>>)
      tpu.yield
    }) : () -> ()
    %mul3A_98 = arith.constant 3 : i32
    %mul3A_99 = arith.muli %add3A, %mul3A_98 : i32
    %add3A_100 = arith.constant 2 : i32
    %add3A_101 = arith.addi %mul3A_99, %add3A_100 : i32
    %jit3A_102 = arith.constant 3 : i32
    %div3A_103 = arith.divsi %add3A_101, %jit3A_102 : i32
    %sign3A_104 = arith.constant 0 : i32
    %sign3A_105 = arith.cmpi sgt, %add3A_101, %sign3A_104 : i32
    %sign3A_106 = arith.extui %sign3A_105 : i1 to i32
    %sign3A_107 = arith.constant 0 : i32
    %sign3A_108 = arith.cmpi slt, %add3A_101, %sign3A_107 : i32
    %sign3A_109 = arith.extui %sign3A_108 : i1 to i32
    %sign3A_110 = arith.subi %sign3A_106, %sign3A_109 : i32
    %sign3A_111 = arith.constant 0 : i32
    %sign3A_112 = arith.cmpi sgt, %jit3A_102, %sign3A_111 : i32
    %sign3A_113 = arith.extui %sign3A_112 : i1 to i32
    %sign3A_114 = arith.constant 0 : i32
    %sign3A_115 = arith.cmpi slt, %jit3A_102, %sign3A_114 : i32
    %sign3A_116 = arith.extui %sign3A_115 : i1 to i32
    %sign3A_117 = arith.subi %sign3A_113, %sign3A_116 : i32
    %ne3A_118 = arith.cmpi ne, %sign3A_110, %sign3A_117 : i32
    %rem3A_119 = arith.remsi %add3A_101, %jit3A_102 : i32
    %ne3A_120 = arith.constant 0 : i32
    %ne3A_121 = arith.cmpi ne, %rem3A_119, %ne3A_120 : i32
    %and3A_122 = arith.andi %ne3A_118, %ne3A_121 : i1
    %sub3A_123 = arith.constant 1 : i32
    %sub3A_124 = arith.subi %div3A_103, %sub3A_123 : i32
    %select_n3A_125 = arith.select %and3A_122, %sub3A_124, %div3A_103 : i32
    %jit3A_126 = arith.constant 3 : i32
    %eq3A_127 = arith.constant 0 : i32
    %eq3A_128 = arith.cmpi eq, %jit3A_126, %eq3A_127 : i32
    %jit3A_129 = arith.constant 1 : i32
    %select_n3A_130 = arith.select %eq3A_128, %jit3A_129, %jit3A_126 : i32
    %rem3A_131 = arith.remsi %add3A_101, %select_n3A_130 : i32
    %ne3A_132 = arith.constant 0 : i32
    %ne3A_133 = arith.cmpi ne, %rem3A_131, %ne3A_132 : i32
    %lt3A_134 = arith.constant 0 : i32
    %lt3A_135 = arith.cmpi slt, %rem3A_131, %lt3A_134 : i32
    %lt3A_136 = arith.constant 0 : i32
    %lt3A_137 = arith.cmpi slt, %select_n3A_130, %lt3A_136 : i32
    %ne3A_138 = arith.xori %lt3A_135, %lt3A_137 : i1
    %and3A_139 = arith.andi %ne3A_138, %ne3A_133 : i1
    %add3A_140 = arith.addi %rem3A_131, %select_n3A_130 : i32
    %select_n3A_141 = arith.select %and3A_139, %add3A_140, %rem3A_131 : i32
    %mul3A_142 = arith.constant 85 : i32
    %mul3A_143 = arith.muli %mul3A_142, %select_n3A_141 : i32
    %add3A_144 = arith.constant 4 : i32
    %add3A_145 = arith.addi %mul3A_143, %add3A_144 : i32
    "tpu.region"() ({
      %run_scoped3A = tpu.sem_alloc : memref<!tpu.dma_semaphore, #tpu.memory_space<semaphore_mem>>
      %dma_start3A = arith.constant 0 : i32
      %dma_start3A_152 = arith.constant 0 : i32
      %dma_start3A_153 = tpu.memref_slice %arg2[%select_n3A_125, %add3A_145, %dma_start3A, %dma_start3A_152] : memref<32x255x76x76xf32, #tpu.memory_space<hbm>> -> memref<1x1x76x76xf32, #tpu.memory_space<hbm>>
      %dma_start3A_154 = tpu.memref_squeeze %dma_start3A_153 : memref<1x1x76x76xf32, #tpu.memory_space<hbm>> -> memref<76x76xf32, #tpu.memory_space<hbm>>
      %dma_start3A_155 = arith.constant 0 : i32
      %dma_start3A_156 = arith.constant 0 : i32
      %dma_start3A_157 = tpu.memref_slice %arg2[%select_n3A_125, %add3A_145, %dma_start3A_155, %dma_start3A_156] : memref<32x255x76x76xf32, #tpu.memory_space<hbm>> -> memref<1x1x76x76xf32, #tpu.memory_space<hbm>>
      %dma_start3A_158 = tpu.memref_squeeze %dma_start3A_157 : memref<1x1x76x76xf32, #tpu.memory_space<hbm>> -> memref<76x76xf32, #tpu.memory_space<hbm>>
      tpu.enqueue_dma source(%dma_start3A_158 : memref<76x76xf32, #tpu.memory_space<hbm>>) target(%arg4 : memref<76x76xf32, #tpu.memory_space<vmem>>) target_semaphore(%run_scoped3A : memref<!tpu.dma_semaphore, #tpu.memory_space<semaphore_mem>>)
      %dma_wait3A = arith.constant 0 : i32
      %dma_wait3A_159 = arith.constant 0 : i32
      %dma_wait3A_160 = tpu.memref_slice %arg2[%select_n3A_125, %add3A_145, %dma_wait3A, %dma_wait3A_159] : memref<32x255x76x76xf32, #tpu.memory_space<hbm>> -> memref<1x1x76x76xf32, #tpu.memory_space<hbm>>
      %dma_wait3A_161 = tpu.memref_squeeze %dma_wait3A_160 : memref<1x1x76x76xf32, #tpu.memory_space<hbm>> -> memref<76x76xf32, #tpu.memory_space<hbm>>
      %dma_wait3A_162 = arith.constant 0 : i32
      %dma_wait3A_163 = arith.constant 0 : i32
      %dma_wait3A_164 = tpu.memref_slice %arg2[%select_n3A_125, %add3A_145, %dma_wait3A_162, %dma_wait3A_163] : memref<32x255x76x76xf32, #tpu.memory_space<hbm>> -> memref<1x1x76x76xf32, #tpu.memory_space<hbm>>
      %dma_wait3A_165 = tpu.memref_squeeze %dma_wait3A_164 : memref<1x1x76x76xf32, #tpu.memory_space<hbm>> -> memref<76x76xf32, #tpu.memory_space<hbm>>
      tpu.wait_dma2 semaphore(%run_scoped3A : memref<!tpu.dma_semaphore, #tpu.memory_space<semaphore_mem>>) src(%dma_wait3A_165 : memref<76x76xf32, #tpu.memory_space<hbm>>) dst(%arg4 : memref<76x76xf32, #tpu.memory_space<vmem>>)
      tpu.yield
    }) : () -> ()
    %scan3A_146 = arith.constant 0 : i32
    %scan3A_147 = arith.constant 0 : i32
    %scan3A_148 = arith.constant 76 : i32
    %scan3A_149 = arith.addi %scan3A_147, %scan3A_148 : i32
    %scan3A_150 = arith.constant 1 : i32
    scf.for %scan3A_152 = %scan3A_147 to %scan3A_149 step %scan3A_150  : i32 {
      %get3A = arith.index_cast %scan3A_152 : i32 to index
      %get3A_153 = arith.constant 0 : index
      %get3A_154 = tpu.vector_load %arg4[%get3A, %get3A_153] {strides = array<i32>} : memref<76x76xf32, #tpu.memory_space<vmem>>, vector<1x16xf32>,
      %get3A_155 = vector.shape_cast %get3A_154 : vector<1x16xf32> to vector<16xf32>
      %neg3A = arith.constant 0.000000e+00 : f32
      %neg3A_156 = vector.broadcast %neg3A : f32 to vector<16xf32>
      %neg3A_157 = arith.subf %neg3A_156, %get3A_155 : vector<16xf32>
      %exp3A = math.exp %neg3A_157 : vector<16xf32>
      %add3A_158 = arith.constant 1.000000e+00 : f32
      %add3A_159 = vector.broadcast %add3A_158 : f32 to vector<16xf32>
      %add3A_160 = arith.addf %add3A_159, %exp3A : vector<16xf32>
      %div3A_161 = arith.constant 1.000000e+00 : f32
      %div3A_162 = vector.broadcast %div3A_161 : f32 to vector<16xf32>
      %div3A_163 = arith.divf %div3A_162, %add3A_160 : vector<16xf32>
      %swap3A = arith.index_cast %scan3A_152 : i32 to index
      %swap3A_164 = arith.constant 0 : index
      %swap3A_165 = tpu.vector_load %arg5[%swap3A, %swap3A_164] {strides = array<i32>} : memref<76x76xf32, #tpu.memory_space<vmem>>, vector<1x16xf32>,
      %swap3A_166 = vector.shape_cast %swap3A_165 : vector<1x16xf32> to vector<16xf32>
      %swap3A_167 = vector.shape_cast %div3A_163 : vector<16xf32> to vector<1x16xf32>
      tpu.vector_store %arg5[%swap3A, %swap3A_164], %swap3A_167 {strides = array<i32>} : memref<76x76xf32, #tpu.memory_space<vmem>>, vector<1x16xf32>,
      %get3A_168 = arith.index_cast %scan3A_152 : i32 to index
      %get3A_169 = arith.constant 16 : index
      %get3A_170 = tpu.vector_load %arg4[%get3A_168, %get3A_169] {strides = array<i32>} : memref<76x76xf32, #tpu.memory_space<vmem>>, vector<1x16xf32>,
      %get3A_171 = vector.shape_cast %get3A_170 : vector<1x16xf32> to vector<16xf32>
      %neg3A_172 = arith.constant 0.000000e+00 : f32
      %neg3A_173 = vector.broadcast %neg3A_172 : f32 to vector<16xf32>
      %neg3A_174 = arith.subf %neg3A_173, %get3A_171 : vector<16xf32>
      %exp3A_175 = math.exp %neg3A_174 : vector<16xf32>
      %add3A_176 = arith.constant 1.000000e+00 : f32
      %add3A_177 = vector.broadcast %add3A_176 : f32 to vector<16xf32>
      %add3A_178 = arith.addf %add3A_177, %exp3A_175 : vector<16xf32>
      %div3A_179 = arith.constant 1.000000e+00 : f32
      %div3A_180 = vector.broadcast %div3A_179 : f32 to vector<16xf32>
      %div3A_181 = arith.divf %div3A_180, %add3A_178 : vector<16xf32>
      %swap3A_182 = arith.index_cast %scan3A_152 : i32 to index
      %swap3A_183 = arith.constant 16 : index
      %swap3A_184 = tpu.vector_load %arg5[%swap3A_182, %swap3A_183] {strides = array<i32>} : memref<76x76xf32, #tpu.memory_space<vmem>>, vector<1x16xf32>,
      %swap3A_185 = vector.shape_cast %swap3A_184 : vector<1x16xf32> to vector<16xf32>
      %swap3A_186 = vector.shape_cast %div3A_181 : vector<16xf32> to vector<1x16xf32>
      tpu.vector_store %arg5[%swap3A_182, %swap3A_183], %swap3A_186 {strides = array<i32>} : memref<76x76xf32, #tpu.memory_space<vmem>>, vector<1x16xf32>,
      %get3A_187 = arith.index_cast %scan3A_152 : i32 to index
      %get3A_188 = arith.constant 32 : index
      %get3A_189 = tpu.vector_load %arg4[%get3A_187, %get3A_188] {strides = array<i32>} : memref<76x76xf32, #tpu.memory_space<vmem>>, vector<1x16xf32>,
      %get3A_190 = vector.shape_cast %get3A_189 : vector<1x16xf32> to vector<16xf32>
      %neg3A_191 = arith.constant 0.000000e+00 : f32
      %neg3A_192 = vector.broadcast %neg3A_191 : f32 to vector<16xf32>
      %neg3A_193 = arith.subf %neg3A_192, %get3A_190 : vector<16xf32>
      %exp3A_194 = math.exp %neg3A_193 : vector<16xf32>
      %add3A_195 = arith.constant 1.000000e+00 : f32
      %add3A_196 = vector.broadcast %add3A_195 : f32 to vector<16xf32>
      %add3A_197 = arith.addf %add3A_196, %exp3A_194 : vector<16xf32>
      %div3A_198 = arith.constant 1.000000e+00 : f32
      %div3A_199 = vector.broadcast %div3A_198 : f32 to vector<16xf32>
      %div3A_200 = arith.divf %div3A_199, %add3A_197 : vector<16xf32>
      %swap3A_201 = arith.index_cast %scan3A_152 : i32 to index
      %swap3A_202 = arith.constant 32 : index
      %swap3A_203 = tpu.vector_load %arg5[%swap3A_201, %swap3A_202] {strides = array<i32>} : memref<76x76xf32, #tpu.memory_space<vmem>>, vector<1x16xf32>,
      %swap3A_204 = vector.shape_cast %swap3A_203 : vector<1x16xf32> to vector<16xf32>
      %swap3A_205 = vector.shape_cast %div3A_200 : vector<16xf32> to vector<1x16xf32>
      tpu.vector_store %arg5[%swap3A_201, %swap3A_202], %swap3A_205 {strides = array<i32>} : memref<76x76xf32, #tpu.memory_space<vmem>>, vector<1x16xf32>,
      %get3A_206 = arith.index_cast %scan3A_152 : i32 to index
      %get3A_207 = arith.constant 48 : index
      %get3A_208 = tpu.vector_load %arg4[%get3A_206, %get3A_207] {strides = array<i32>} : memref<76x76xf32, #tpu.memory_space<vmem>>, vector<1x16xf32>,
      %get3A_209 = vector.shape_cast %get3A_208 : vector<1x16xf32> to vector<16xf32>
      %neg3A_210 = arith.constant 0.000000e+00 : f32
      %neg3A_211 = vector.broadcast %neg3A_210 : f32 to vector<16xf32>
      %neg3A_212 = arith.subf %neg3A_211, %get3A_209 : vector<16xf32>
      %exp3A_213 = math.exp %neg3A_212 : vector<16xf32>
      %add3A_214 = arith.constant 1.000000e+00 : f32
      %add3A_215 = vector.broadcast %add3A_214 : f32 to vector<16xf32>
      %add3A_216 = arith.addf %add3A_215, %exp3A_213 : vector<16xf32>
      %div3A_217 = arith.constant 1.000000e+00 : f32
      %div3A_218 = vector.broadcast %div3A_217 : f32 to vector<16xf32>
      %div3A_219 = arith.divf %div3A_218, %add3A_216 : vector<16xf32>
      %swap3A_220 = arith.index_cast %scan3A_152 : i32 to index
      %swap3A_221 = arith.constant 48 : index
      %swap3A_222 = tpu.vector_load %arg5[%swap3A_220, %swap3A_221] {strides = array<i32>} : memref<76x76xf32, #tpu.memory_space<vmem>>, vector<1x16xf32>,
      %swap3A_223 = vector.shape_cast %swap3A_222 : vector<1x16xf32> to vector<16xf32>
      %swap3A_224 = vector.shape_cast %div3A_219 : vector<16xf32> to vector<1x16xf32>
      tpu.vector_store %arg5[%swap3A_220, %swap3A_221], %swap3A_224 {strides = array<i32>} : memref<76x76xf32, #tpu.memory_space<vmem>>, vector<1x16xf32>,
      %get3A_225 = arith.index_cast %scan3A_152 : i32 to index
      %get3A_226 = arith.constant 60 : index
      %get3A_227 = tpu.vector_load %arg4[%get3A_225, %get3A_226] {strides = array<i32>} : memref<76x76xf32, #tpu.memory_space<vmem>>, vector<1x16xf32>,
      %get3A_228 = vector.shape_cast %get3A_227 : vector<1x16xf32> to vector<16xf32>
      %neg3A_229 = arith.constant 0.000000e+00 : f32
      %neg3A_230 = vector.broadcast %neg3A_229 : f32 to vector<16xf32>
      %neg3A_231 = arith.subf %neg3A_230, %get3A_228 : vector<16xf32>
      %exp3A_232 = math.exp %neg3A_231 : vector<16xf32>
      %add3A_233 = arith.constant 1.000000e+00 : f32
      %add3A_234 = vector.broadcast %add3A_233 : f32 to vector<16xf32>
      %add3A_235 = arith.addf %add3A_234, %exp3A_232 : vector<16xf32>
      %div3A_236 = arith.constant 1.000000e+00 : f32
      %div3A_237 = vector.broadcast %div3A_236 : f32 to vector<16xf32>
      %div3A_238 = arith.divf %div3A_237, %add3A_235 : vector<16xf32>
      %swap3A_239 = arith.index_cast %scan3A_152 : i32 to index
      %swap3A_240 = arith.constant 60 : index
      %swap3A_241 = tpu.vector_load %arg5[%swap3A_239, %swap3A_240] {strides = array<i32>} : memref<76x76xf32, #tpu.memory_space<vmem>>, vector<1x16xf32>,
      %swap3A_242 = vector.shape_cast %swap3A_241 : vector<1x16xf32> to vector<16xf32>
      %swap3A_243 = vector.shape_cast %div3A_238 : vector<16xf32> to vector<1x16xf32>
      tpu.vector_store %arg5[%swap3A_239, %swap3A_240], %swap3A_243 {strides = array<i32>} : memref<76x76xf32, #tpu.memory_space<vmem>>, vector<1x16xf32>,
    }
    %scan3A_151 = arith.constant 76 : i32
    "tpu.region"() ({
      %run_scoped3A = tpu.sem_alloc : memref<!tpu.dma_semaphore, #tpu.memory_space<semaphore_mem>>
      %dma_start3A = arith.constant 0 : i32
      %dma_start3A_152 = arith.constant 0 : i32
      %dma_start3A_153 = tpu.memref_slice %arg3[%select_n3A_125, %select_n3A_141, %dma_start3A, %dma_start3A_152] : memref<32x3x76x76xf32, #tpu.memory_space<hbm>> -> memref<1x1x76x76xf32, #tpu.memory_space<hbm>>
      %dma_start3A_154 = tpu.memref_squeeze %dma_start3A_153 : memref<1x1x76x76xf32, #tpu.memory_space<hbm>> -> memref<76x76xf32, #tpu.memory_space<hbm>>
      %dma_start3A_155 = arith.constant 0 : i32
      %dma_start3A_156 = arith.constant 0 : i32
      %dma_start3A_157 = tpu.memref_slice %arg3[%select_n3A_125, %select_n3A_141, %dma_start3A_155, %dma_start3A_156] : memref<32x3x76x76xf32, #tpu.memory_space<hbm>> -> memref<1x1x76x76xf32, #tpu.memory_space<hbm>>
      %dma_start3A_158 = tpu.memref_squeeze %dma_start3A_157 : memref<1x1x76x76xf32, #tpu.memory_space<hbm>> -> memref<76x76xf32, #tpu.memory_space<hbm>>
      tpu.enqueue_dma source(%arg5 : memref<76x76xf32, #tpu.memory_space<vmem>>) target(%dma_start3A_158 : memref<76x76xf32, #tpu.memory_space<hbm>>) target_semaphore(%run_scoped3A : memref<!tpu.dma_semaphore, #tpu.memory_space<semaphore_mem>>)
      %dma_wait3A = arith.constant 0 : i32
      %dma_wait3A_159 = arith.constant 0 : i32
      %dma_wait3A_160 = tpu.memref_slice %arg3[%select_n3A_125, %select_n3A_141, %dma_wait3A, %dma_wait3A_159] : memref<32x3x76x76xf32, #tpu.memory_space<hbm>> -> memref<1x1x76x76xf32, #tpu.memory_space<hbm>>
      %dma_wait3A_161 = tpu.memref_squeeze %dma_wait3A_160 : memref<1x1x76x76xf32, #tpu.memory_space<hbm>> -> memref<76x76xf32, #tpu.memory_space<hbm>>
      %dma_wait3A_162 = arith.constant 0 : i32
      %dma_wait3A_163 = arith.constant 0 : i32
      %dma_wait3A_164 = tpu.memref_slice %arg3[%select_n3A_125, %select_n3A_141, %dma_wait3A_162, %dma_wait3A_163] : memref<32x3x76x76xf32, #tpu.memory_space<hbm>> -> memref<1x1x76x76xf32, #tpu.memory_space<hbm>>
      %dma_wait3A_165 = tpu.memref_squeeze %dma_wait3A_164 : memref<1x1x76x76xf32, #tpu.memory_space<hbm>> -> memref<76x76xf32, #tpu.memory_space<hbm>>
      tpu.wait_dma2 semaphore(%run_scoped3A : memref<!tpu.dma_semaphore, #tpu.memory_space<semaphore_mem>>) src(%arg5 : memref<76x76xf32, #tpu.memory_space<vmem>>) dst(%dma_wait3A_165 : memref<76x76xf32, #tpu.memory_space<hbm>>)
      tpu.yield
    }) : () -> ()
    return
  }
}

module attributes {stable_mosaic.version = 14 : i64} {
  func.func @_lambda_(%arg0: i32, %arg1: i32, %arg2: memref<1x85x76x76xf32, #tpu.memory_space<vmem>>, %arg3: memref<1x1x76x76x4xf32, #tpu.memory_space<vmem>>, %arg4: memref<1x1x76x76xf32, #tpu.memory_space<vmem>>, %arg5: memref<1x1x76x76x80xf32, #tpu.memory_space<vmem>>) attributes {dimension_semantics = [#tpu.dimension_semantics<arbitrary>, #tpu.dimension_semantics<arbitrary>], iteration_bounds = array<i64: 32, 3>, scalar_prefetch = 0 : i64, scratch_operands = 0 : i64, tpu.core_type = #tpu.core_type<tc>, window_params = [{transform_indices = @transform_0, window_bounds = array<i64: 1, 85, 76, 76>}, {transform_indices = @transform_1, window_bounds = array<i64: 1, 1, 76, 76, 4>}, {transform_indices = @transform_2, window_bounds = array<i64: 1, 1, 76, 76>}, {transform_indices = @transform_3, window_bounds = array<i64: 1, 1, 76, 76, 80>}]} {
    %get3A = arith.constant 0 : index
    %get3A_0 = arith.constant 0 : index
    %get3A_1 = arith.constant 0 : index
    %get3A_2 = arith.constant 0 : index
    %get3A_3 = vector.load %arg2[%get3A, %get3A_0, %get3A_1, %get3A_2] : memref<1x85x76x76xf32, #tpu.memory_space<vmem>>, vector<1x85x76x76xf32>
    %get3A_4 = vector.shape_cast %get3A_3 : vector<1x85x76x76xf32> to vector<85x76x76xf32>
    %iota3A = tpu.iota {dimensions = array<i32: 1>} : vector<76x76xi32>
    %convert_element_type3A = arith.sitofp %iota3A : vector<76x76xi32> to vector<76x76xf32>
    %iota3A_5 = tpu.iota {dimensions = array<i32: 0>} : vector<76x76xi32>
    %convert_element_type3A_6 = arith.sitofp %iota3A_5 : vector<76x76xi32> to vector<76x76xf32>
    %eq3A = arith.constant 0 : i32
    %eq3A_7 = arith.cmpi eq, %arg1, %eq3A : i32
    %eq3A_8 = arith.constant 1 : i32
    %eq3A_9 = arith.cmpi eq, %arg1, %eq3A_8 : i32
    %jit3A = arith.constant 1.600000e+01 : f32
    %jit3A_10 = arith.constant 3.300000e+01 : f32
    %select_n3A = arith.select %eq3A_9, %jit3A, %jit3A_10 : f32
    %jit3A_11 = arith.constant 1.000000e+01 : f32
    %select_n3A_12 = arith.select %eq3A_7, %jit3A_11, %select_n3A : f32
    %eq3A_13 = arith.constant 0 : i32
    %eq3A_14 = arith.cmpi eq, %arg1, %eq3A_13 : i32
    %eq3A_15 = arith.constant 1 : i32
    %eq3A_16 = arith.cmpi eq, %arg1, %eq3A_15 : i32
    %jit3A_17 = arith.constant 3.000000e+01 : f32
    %jit3A_18 = arith.constant 2.300000e+01 : f32
    %select_n3A_19 = arith.select %eq3A_16, %jit3A_17, %jit3A_18 : f32
    %jit3A_20 = arith.constant 1.300000e+01 : f32
    %select_n3A_21 = arith.select %eq3A_14, %jit3A_20, %select_n3A_19 : f32
    %slice3A = vector.extract_strided_slice %get3A_4 {offsets = [0, 0, 0], sizes = [1, 76, 76], strides = [1, 1, 1]} : vector<85x76x76xf32> to vector<1x76x76xf32>
    %squeeze3A = vector.shape_cast %slice3A : vector<1x76x76xf32> to vector<76x76xf32>
    %logistic3A = arith.negf %squeeze3A : vector<76x76xf32>
    %logistic3A_22 = math.exp %logistic3A : vector<76x76xf32>
    %logistic3A_23 = arith.constant 1.000000e+00 : f32
    %logistic3A_24 = vector.broadcast %logistic3A_23 : f32 to vector<76x76xf32>
    %logistic3A_25 = arith.addf %logistic3A_24, %logistic3A_22 : vector<76x76xf32>
    %logistic3A_26 = arith.divf %logistic3A_24, %logistic3A_25 : vector<76x76xf32>
    %add3A = arith.addf %logistic3A_26, %convert_element_type3A : vector<76x76xf32>
    %mul3A = arith.constant 8.000000e+00 : f32
    %mul3A_27 = vector.broadcast %mul3A : f32 to vector<76x76xf32>
    %mul3A_28 = arith.mulf %add3A, %mul3A_27 : vector<76x76xf32>
    %slice3A_29 = vector.extract_strided_slice %get3A_4 {offsets = [1, 0, 0], sizes = [1, 76, 76], strides = [1, 1, 1]} : vector<85x76x76xf32> to vector<1x76x76xf32>
    %squeeze3A_30 = vector.shape_cast %slice3A_29 : vector<1x76x76xf32> to vector<76x76xf32>
    %logistic3A_31 = arith.negf %squeeze3A_30 : vector<76x76xf32>
    %logistic3A_32 = math.exp %logistic3A_31 : vector<76x76xf32>
    %logistic3A_33 = arith.constant 1.000000e+00 : f32
    %logistic3A_34 = vector.broadcast %logistic3A_33 : f32 to vector<76x76xf32>
    %logistic3A_35 = arith.addf %logistic3A_34, %logistic3A_32 : vector<76x76xf32>
    %logistic3A_36 = arith.divf %logistic3A_34, %logistic3A_35 : vector<76x76xf32>
    %add3A_37 = arith.addf %logistic3A_36, %convert_element_type3A_6 : vector<76x76xf32>
    %mul3A_38 = arith.constant 8.000000e+00 : f32
    %mul3A_39 = vector.broadcast %mul3A_38 : f32 to vector<76x76xf32>
    %mul3A_40 = arith.mulf %add3A_37, %mul3A_39 : vector<76x76xf32>
    %slice3A_41 = vector.extract_strided_slice %get3A_4 {offsets = [2, 0, 0], sizes = [1, 76, 76], strides = [1, 1, 1]} : vector<85x76x76xf32> to vector<1x76x76xf32>
    %squeeze3A_42 = vector.shape_cast %slice3A_41 : vector<1x76x76xf32> to vector<76x76xf32>
    %exp3A = math.exp %squeeze3A_42 : vector<76x76xf32>
    %mul3A_43 = vector.broadcast %select_n3A_12 : f32 to vector<76x76xf32>
    %mul3A_44 = arith.mulf %exp3A, %mul3A_43 : vector<76x76xf32>
    %slice3A_45 = vector.extract_strided_slice %get3A_4 {offsets = [3, 0, 0], sizes = [1, 76, 76], strides = [1, 1, 1]} : vector<85x76x76xf32> to vector<1x76x76xf32>
    %squeeze3A_46 = vector.shape_cast %slice3A_45 : vector<1x76x76xf32> to vector<76x76xf32>
    %exp3A_47 = math.exp %squeeze3A_46 : vector<76x76xf32>
    %mul3A_48 = vector.broadcast %select_n3A_21 : f32 to vector<76x76xf32>
    %mul3A_49 = arith.mulf %exp3A_47, %mul3A_48 : vector<76x76xf32>
    %stack3A = vector.shape_cast %mul3A_28 : vector<76x76xf32> to vector<1x76x76xf32>
    %stack3A_50 = vector.shape_cast %mul3A_40 : vector<76x76xf32> to vector<1x76x76xf32>
    %stack3A_51 = vector.shape_cast %mul3A_44 : vector<76x76xf32> to vector<1x76x76xf32>
    %stack3A_52 = vector.shape_cast %mul3A_49 : vector<76x76xf32> to vector<1x76x76xf32>
    %stack3A_53 = tpu.concatenate %stack3A, %stack3A_50, %stack3A_51, %stack3A_52 in 0 : vector<1x76x76xf32>, vector<1x76x76xf32>, vector<1x76x76xf32>, vector<1x76x76xf32> -> vector<4x76x76xf32>
    %transpose3A = tpu.transpose %stack3A_53, [1, 2, 0] : vector<4x76x76xf32> -> vector<76x76x4xf32>
    %swap3A = arith.constant 0 : index
    %swap3A_54 = arith.constant 0 : index
    %swap3A_55 = arith.constant 0 : index
    %swap3A_56 = arith.constant 0 : index
    %swap3A_57 = arith.constant 0 : index
    %swap3A_58 = vector.load %arg3[%swap3A, %swap3A_54, %swap3A_55, %swap3A_56, %swap3A_57] : memref<1x1x76x76x4xf32, #tpu.memory_space<vmem>>, vector<1x1x76x76x4xf32>
    %swap3A_59 = vector.shape_cast %swap3A_58 : vector<1x1x76x76x4xf32> to vector<76x76x4xf32>
    %swap3A_60 = vector.shape_cast %transpose3A : vector<76x76x4xf32> to vector<1x1x76x76x4xf32>
    tpu.vector_store %arg3[%swap3A, %swap3A_54, %swap3A_55, %swap3A_56, %swap3A_57], %swap3A_60 {strides = array<i32>} : memref<1x1x76x76x4xf32, #tpu.memory_space<vmem>>, vector<1x1x76x76x4xf32>,
    %slice3A_61 = vector.extract_strided_slice %get3A_4 {offsets = [5, 0, 0], sizes = [80, 76, 76], strides = [1, 1, 1]} : vector<85x76x76xf32> to vector<80x76x76xf32>
    %logistic3A_62 = arith.negf %slice3A_61 : vector<80x76x76xf32>
    %logistic3A_63 = math.exp %logistic3A_62 : vector<80x76x76xf32>
    %logistic3A_64 = arith.constant 1.000000e+00 : f32
    %logistic3A_65 = vector.broadcast %logistic3A_64 : f32 to vector<80x76x76xf32>
    %logistic3A_66 = arith.addf %logistic3A_65, %logistic3A_63 : vector<80x76x76xf32>
    %logistic3A_67 = arith.divf %logistic3A_65, %logistic3A_66 : vector<80x76x76xf32>
    %transpose3A_68 = tpu.transpose %logistic3A_67, [1, 2, 0] : vector<80x76x76xf32> -> vector<76x76x80xf32>
    %swap3A_69 = arith.constant 0 : index
    %swap3A_70 = arith.constant 0 : index
    %swap3A_71 = arith.constant 0 : index
    %swap3A_72 = arith.constant 0 : index
    %swap3A_73 = arith.constant 0 : index
    %swap3A_74 = vector.load %arg5[%swap3A_69, %swap3A_70, %swap3A_71, %swap3A_72, %swap3A_73] : memref<1x1x76x76x80xf32, #tpu.memory_space<vmem>>, vector<1x1x76x76x80xf32>
    %swap3A_75 = vector.shape_cast %swap3A_74 : vector<1x1x76x76x80xf32> to vector<76x76x80xf32>
    %swap3A_76 = vector.shape_cast %transpose3A_68 : vector<76x76x80xf32> to vector<1x1x76x76x80xf32>
    tpu.vector_store %arg5[%swap3A_69, %swap3A_70, %swap3A_71, %swap3A_72, %swap3A_73], %swap3A_76 {strides = array<i32>} : memref<1x1x76x76x80xf32, #tpu.memory_space<vmem>>, vector<1x1x76x76x80xf32>,
    return
  }
  func.func @transform_0(%arg0: i32, %arg1: i32) -> (i32, i32, i32, i32) {
    %c0_i32 = arith.constant 0 : i32
    %c0_i32_0 = arith.constant 0 : i32
    %c0_i32_1 = arith.constant 0 : i32
    return %arg0, %arg1, %c0_i32, %c0_i32_0 : i32, i32, i32, i32
  }
  func.func @transform_1(%arg0: i32, %arg1: i32) -> (i32, i32, i32, i32, i32) {
    %c0_i32 = arith.constant 0 : i32
    %c0_i32_0 = arith.constant 0 : i32
    %c0_i32_1 = arith.constant 0 : i32
    %c0_i32_2 = arith.constant 0 : i32
    return %arg0, %arg1, %c0_i32, %c0_i32_0, %c0_i32_1 : i32, i32, i32, i32, i32
  }
  func.func @transform_2(%arg0: i32, %arg1: i32) -> (i32, i32, i32, i32) {
    %c0_i32 = arith.constant 0 : i32
    %c0_i32_0 = arith.constant 0 : i32
    %c0_i32_1 = arith.constant 0 : i32
    return %arg0, %arg1, %c0_i32, %c0_i32_0 : i32, i32, i32, i32
  }
  func.func @transform_3(%arg0: i32, %arg1: i32) -> (i32, i32, i32, i32, i32) {
    %c0_i32 = arith.constant 0 : i32
    %c0_i32_0 = arith.constant 0 : i32
    %c0_i32_1 = arith.constant 0 : i32
    %c0_i32_2 = arith.constant 0 : i32
    return %arg0, %arg1, %c0_i32, %c0_i32_0, %c0_i32_1 : i32, i32, i32, i32, i32
  }
}

</mosaic_0001>

<sc_bundles>
// kernel: kernel.4.cloned.1.call-start
scs
__scs_entry_jumppad:
0x0: {  	(pc) =	sbr.rel $0x88, $3  }
0x1: {  	(tag) =	ssettag $0x0;
	lr =	simm.s32 $0x1  }
0x2: {  	[smem:$0x3FA0] =	sst lr;
	_ =	strace $0xD0000000  }
0x3: {  	_ = 	snop  }
0x4: {  	_ = 	snop  }
0x5: {  	_ = 	snop  }
0x6: {  	_ = 	snop  }
0x7: {  	_ = 	snop  }
__scs_overlays_trampoline_lowered:
0x8: {  	[smem:$0x3FAF] =	sst s0  }
0x9: {  	[smem:$0x3FB0] =	sst s1  }
0xa: {  	[smem:$0x3FB1] =	sst s2  }
0xb: {  	[smem:$0x3FB2] =	sst s3  }
0xc: {  	[smem:$0x3FB3] =	sst s4  }
0xd: {  	[smem:$0x3FB4] =	sst s5  }
0xe: {  	[smem:$0x3FB5] =	sst s6  }
0xf: {  	[smem:$0x3FB6] =	sst s7  }
0x10: {  	[smem:$0x3FB7] =	sst s8  }
0x11: {  	[smem:$0x3FB8] =	sst s9;
	s0 =	simm.s32 @!p0 $0x0  }
0x12: {  	s1 =	sld [smem:$0x3F9E];
	s0 =	simm.s32 @p0 $0x1  }
0x13: {  	[smem:$0x3FB9] =	sst s0;
	s0 =	simm.s32 @!p1 $0x0  }
0x14: {  	s2 =	sld [smem:$0x3F9D];
	s0 =	simm.s32 @p1 $0x1  }
0x15: {  	[smem:$0x3FBA] =	sst s0;
	s0 =	simm.s32 @!p2 $0x0  }
0x16: {  	s3 =	sld [smem:$0x3FDB];
	s0 =	simm.s32 @p2 $0x1  }
0x17: {  	s4 =	simm.s32 $0x1BF5;
	[smem:$0x3FBC] =	sst s0  }
0x18: {  	s0 =	sld [smem:$0x3F9F];
	_ =	swait.ge [sflag:s4], $0x0  }
0x19: {  	s7 =	sld [smem:$0x3FA0]  }
0x1a: {  	s8 =	sadd.s32 $0xFFFFE003, lr  }
0x1b: {  	s9 =	sadd.s32 $0xFFFFFEF7, lr;
	s5 =	simm.s32 $0xFFFFFFFF;
	p2 =	slt.u32 s8, $0xFFFFF086  }
0x1c: {  	p1 =	slt.u32 s9, $0xF7A;
	s5 =	simm.s32 @!p2 $0x0  }
0x1d: {  	s5 =	simm.s32 @p1 $0x1;
	p0 =	seq.s32 s7, s2  }
0x1e: {  	s7 =	smul.u32 @!p0 $0xF7A, s2;
	p2 =	seq.s32 @!p0 s5, $0x0  }
0x1f: {  	s9 =	smul.u32 $0xF7A, s1;
	s8 =	simm.s32 @!p0 $0x1BF5;
	p2 =	por !p2, p0  }
0x20: {  	[sflag:s8] =	ssyncset.s32 @!p0 $0xFFFFF086;
	s6 =	sadd.s32 @!p0 s3, s7;
	s7 =	simm.s32 @!p0 $0x108  }
0x21: {  	s3 =	sadd.s32 s3, s9;
	s6 =	sadd.s32 @!p0 $0x88, s6;
	s7 =	simm.s32 @p2 $0x1082  }
0x22: {  	[simem:s7], [sflag:s8] =	dma.local @!p0 [hbm:s6], $0xF7A  }
0x23: {  	s9 =	sor.u32 $0xD0000000, s2;
	s6 =	simm.s32 $0x108;
	_ =	swait.ge @!p0 [sflag:s8], $0x0  }
0x24: {  	s3 =	sadd.s32 $0x88, s3;
	s6 =	simm.s32 @!p1 $0x1082;
	[sflag:s4] =	ssyncset.s32 $0xFFFFF086  }
0x25: {  	[simem:s6], [sflag:s4] =	dma.local [hbm:s3], $0xF7A  }
0x26: {  	[smem:$0x3FA0] =	sst s1;
	(tag) =	ssettag s2;
	_ =	strace s9  }
0x27: {  	s1 =	sld [smem:$0x3FB0]  }
0x28: {  	s2 =	sld [smem:$0x3FB1]  }
0x29: {  	s4 =	sld [smem:$0x3FB3]  }
0x2a: {  	p0 =	seq.s32 s5, $0x0;
	s5 =	sld [smem:$0x3FB4]  }
0x2b: {  	s6 =	sld [smem:$0x3FB5]  }
0x2c: {  	s7 =	sld [smem:$0x3FB6]  }
0x2d: {  	s3 =	simm.s32 $0x108;
	s8 =	sld [smem:$0x3FB7]  }
0x2e: {  	s3 =	simm.s32 @!p0 $0x1082;
	s9 =	sld [smem:$0x3FB8]  }
0x2f: {  	lr =	sadd.s32 s0, s3;
	s0 =	sld [smem:$0x3FAF]  }
0x30: {  	s3 =	sld [smem:$0x3FB2]  }
0x31: {  	[smem:$0x3FBB] =	sst s10  }
0x32: {  	s10 =	sld [smem:$0x3FB9];
	_ =	sdelay $0x3  }
0x33: {  	p0 =	seq.s32 s10, $0x1;
	s10 =	sld [smem:$0x3FBB];
	_ =	sdelay $0x3  }
0x34: {  	[smem:$0x3FBB] =	sst s10  }
0x35: {  	s10 =	sld [smem:$0x3FBA];
	_ =	sdelay $0x3  }
0x36: {  	p1 =	seq.s32 s10, $0x1;
	s10 =	sld [smem:$0x3FBB];
	_ =	sdelay $0x3  }
0x37: {  	[smem:$0x3FBB] =	sst s10  }
0x38: {  	s10 =	sld [smem:$0x3FBC]  }
0x39: {  	_ = 	snop;
	(pc) =	sbr.ind lr, $3  }
0x3a: {  	_ = 	snop  }
0x3b: {  	_ = 	snop  }
0x3c: {  	p2 =	seq.s32 s10, $0x1;
	s10 =	sld [smem:$0x3FBB]  }
0x3d: {  	_ =	shalt  }
0x3e: {  	_ =	shalt  }
0x3f: {  	_ =	shalt  }
0x40: {  	_ =	shalt  }
0x41: {  	_ =	shalt  }
0x42: {  	_ =	shalt  }
0x43: {  	_ =	shalt  }
0x44: {  	_ =	shalt  }
0x45: {  	_ =	shalt  }
0x46: {  	_ =	shalt  }
0x47: {  	_ =	shalt  }
0x48: {  	_ =	shalt  }
0x49: {  	_ =	shalt  }
0x4a: {  	_ =	shalt  }
0x4b: {  	_ =	shalt  }
0x4c: {  	_ =	shalt  }
0x4d: {  	_ =	shalt  }
0x4e: {  	_ =	shalt  }
0x4f: {  	_ =	shalt  }
0x50: {  	_ =	shalt  }
0x51: {  	_ =	shalt  }
0x52: {  	_ =	shalt  }
0x53: {  	_ =	shalt  }
0x54: {  	_ =	shalt  }
0x55: {  	_ =	shalt  }
0x56: {  	_ =	shalt  }
0x57: {  	_ =	shalt  }
0x58: {  	_ =	shalt  }
0x59: {  	_ =	shalt  }
0x5a: {  	_ =	shalt  }
0x5b: {  	_ =	shalt  }
0x5c: {  	_ =	shalt  }
0x5d: {  	_ =	shalt  }
0x5e: {  	_ =	shalt  }
0x5f: {  	_ =	shalt  }
0x60: {  	_ =	shalt  }
0x61: {  	_ =	shalt  }
0x62: {  	_ =	shalt  }
0x63: {  	_ =	shalt  }
0x64: {  	_ =	shalt  }
0x65: {  	_ =	shalt  }
0x66: {  	_ =	shalt  }
0x67: {  	_ =	shalt  }
0x68: {  	_ =	shalt  }
0x69: {  	_ =	shalt  }
0x6a: {  	_ =	shalt  }
0x6b: {  	_ =	shalt  }
0x6c: {  	_ =	shalt  }
0x6d: {  	_ =	shalt  }
0x6e: {  	_ =	shalt  }
0x6f: {  	_ =	shalt  }
0x70: {  	_ =	shalt  }
0x71: {  	_ =	shalt  }
0x72: {  	_ =	shalt  }
0x73: {  	_ =	shalt  }
0x74: {  	_ =	shalt  }
0x75: {  	_ =	shalt  }
0x76: {  	_ =	shalt  }
0x77: {  	_ =	shalt  }
0x78: {  	_ =	shalt  }
0x79: {  	_ =	shalt  }
0x7a: {  	_ =	shalt  }
0x7b: {  	_ =	shalt  }
0x7c: {  	_ =	shalt  }
0x7d: {  	_ =	shalt  }
0x7e: {  	_ =	shalt  }
0x7f: {  	_ =	shalt  }
0x80: {  	_ =	shalt  }
0x81: {  	_ =	shalt  }
0x82: {  	_ =	shalt  }
0x83: {  	_ =	shalt  }
0x84: {  	_ =	shalt  }
0x85: {  	_ =	shalt  }
0x86: {  	_ =	shalt  }
0x87: {  	_ =	shalt  }
.Lfunc_end0:
.L_simem_size_0:
called_computation_lowered:
.L_overlay_start_0:
0x88: {  	s2 =	sld [smem:$0x3FD9]  }
0x89: {  	s3 =	sld [smem:$0x3FFE];
	_ =	sdelay $0x1  }
0x8a: {  	s1 =	srdreg.scid  }
0x8b: {  	s0 =	sand.u32 $0x1, s1  }
0x8c: {  	s16 =	sshll.u32 s0, $0xA;
	s2 =	sadd.s32 s3, s2  }
0x8d: {  	s2 =	sadd.s32 s2, s16  }
0x8e: {  	[smem:$0x3FC7] =	sst s2  }
0x8f: {  	_ = 	snop  }
0x90: {  	(tm) =	ssettm $0x1  }
0x91: {  	s17 =	sld [smem:$0x3FFB];
	_ =	sdelay $0x3  }
0x92: {  	_ =	strace s17  }
0x93: {  	s2 =	sld [smem:$0x3FFC];
	_ =	sdelay $0x3  }
0x94: {  	_ =	strace s2  }
0x95: {  	s2 =	sld [smem:$0x3FFD];
	_ =	sdelay $0x3  }
0x96: {  	_ =	strace s2  }
0x97: {  	_ =	strace $0x8FFFFFFF  }
0x98: {  	s18 =	sld [smem:$0x3FDB];
	_ =	sdelay $0x1  }
0x99: {  	s19 =	simm.s32 $_scs_section_size  }
0x9a: {  	s4 =	simm.s32 $_size__tile_overlayer_lowered;
	s5 =	simm.s32 $_tile_overlayer_lowered  }
0x9b: {  	s22 =	simm.s32 $0x1BFF;
	s21 =	sshll.u32 s5, $0x1;
	s2 =	sadd.s32 s19, s18  }
0x9c: {  	s6 =	simm.s32 $0x0;
	s20 =	sshll.u32 s4, $0x1;
	s4 =	sadd.s32 s21, s2  }
0x9d: {  	[timem:s6], [sflag:s22] =	dma.local [hbm:s4], s20  }
0x9e: {  	_ =	swait.ge [sflag:s22], s20  }
0x9f: {  	s3 =	ssub.s32 $0x0, s20;
	[sflag:s22] =	ssyncset.done $0x0  }
0xa0: {  	[sflag:s22] =	ssyncadd.s32 s3;
	_ =	sdelay $0x1  }
0xa1: {  	s23 =	simm.s32 $0x1B8B  }
0xa2: {  	_ =	swait.ge [sflag:s23], $0x1  }
0xa3: {  	[sflag:s23] =	ssyncset.done $0x0  }
0xa4: {  	s25 =	simm.s32 $0x1B8E;
	s24 =	sld [smem:$0x3FFE];
	[sflag:s23] =	ssyncadd.s32 $0xFFFFFFFF  }
0xa5: {  	s26 =	simm.s32 $execute0_lowered;
	[smem:$0x3FD2] =	sst s25  }
0xa6: {  	s4 =	sshll.u32 s26, $0x1;
	_ =	strace $0x80000046;
	[dreg:$0x1] =	wrdreg $0xFFFFFFFF  }
0xa7: {  	s28 =	simm.s32 $_size_execute0_lowered;
	s2 =	sadd.s32 s2, s4;
	[dreg:$0x0] =	wrdreg $0x0  }
0xa8: {  	s4 =	sshll.u32 s28, $0x1;
	[dreg:$0x2] =	wrdreg s2  }
0xa9: {  	[dreg:$0x3] =	wrdreg s4  }
0xaa: {  	[dreg:$0x4] =	wrdreg $0xC0  }
0xab: {  	_ =	task [dreg:s6], $0x5FFFF  }
0xac: {  	[dreg:$0x1] =	wrdreg $0xFFFFFFFF  }
0xad: {  	[dreg:$0x0] =	wrdreg $0x60  }
0xae: {  	[dreg:$0x2] =	wrdreg s24  }
0xaf: {  	[dreg:$0x3] =	wrdreg $0x9  }
0xb0: {  	_ =	task.clear_ibuf [dreg:s6], $0x4FFFF;
	_ =	strace $0x90000046  }
0xb1: {  	s29 =	simm.s32 $0x9;
	_ =	strace $0x80000048  }
0xb2: {  	_ =	swait.ge [sflag:s29], $0x1  }
0xb3: {  	[sflag:s29] =	ssyncadd.s32 $0xFFFFFFFF  }
0xb4: {  	_ =	strace $0x90000048  }
0xb5: {  	_ =	sfence  }
0xb6: {  	s30 =	sld [smem:$0x0];
	_ =	sdelay $0x2  }
0xb7: {  	s31 =	sshll.u32 s1, $0xD;
	s1 =	sshrl.u32 s1, $0x2  }
0xb8: {  	s3 =	sand.u32 $0x4000, s31;
	s1 =	sadd.s32 s1, s30  }
0xb9: {  	s0 =	sor.u32 s3, s0;
	s1 =	sshll.u32 s1, $0x11  }
0xba: {  	s0 =	sor.u32 s1, s0  }
0xbb: {  	s0 =	sadd.s32 $0x8F2B, s0  }
0xbc: {  	[sflag:s0] =	ssyncadd.remote.s32 $0x1  }
0xbd: {  	_ =	sfence.sel $0xFFFF  }
0xbe: {  	[dreg:$0x0] =	wrdreg $0xFFFFFFFF;
	(pc) =	sbr.abs _section_cstart, $3  }
0xbf: {  	[dreg:$0x1] =	wrdreg $0xFFFFFFFF  }
0xc0: {  	_ =	task.clear_ibuf [dreg:s6], $0x2FFFF;
	_ =	strace $0x9FFFFFFF  }
0xc1: {  	(tm) =	ssettm $0x7FFFFFFF  }
tec
execute0_lowered:
.L_overlay_start_1:
0x0: {  	(tag) =	ssettag $0x1  }
0x1: {  	s1 =	srdreg.scid;
	s0 =	stileid.u32  }
0x2: {  	s3 =	sand.u32 $0x1, s1;
	s19 =	sshll.u32 s0, $0x1  }
0x3: {  	s4 =	sor.u32 s3, s19  }
0x4: {  	s1 =	smul.u32 $0x201, s4  }
0x5: {  	s5 =	rddreg [dreg:$0x0];
	s2 =	simm.s32 $0x0;
	s6 =	smul.u32 $0x3, s4  }
0x6: {  	[smem:$0x7FF] =	sst s2;
	s11 =	smul.u32 $0x27D800, s4  }
0x7: {  	s20 =	smul.u32 $0xF00, s4;
	s7 =	sadd.s32 $0xAB, s1;
	s8 =	sadd.s32 $0x2, s6  }
0x8: {  	s3 =	ssub.s32 $0x2, s3;
	s7 =	sshrl.u32 s7, $0x9;
	s9 =	smul.u32 $0xAB, s8  }
0x9: {  	s10 =	sadd.s32 $0x600, s5;
	s21 =	sshrl.u32 s3, $0x1;
	s7 =	smul.u32 $0x3, s7  }
0xa: {  	s12 =	sadd.s32 $0x9F6600, s5;
	s15 =	smul.u32 $0x7800, s4;
	s14 =	ssub.s32 s3, s21  }
0xb: {  	s1 =	rddreg [dreg:$0x1];
	s9 =	sshrl.u32 s9, $0x9;
	s6 =	ssub.s32 s6, s7  }
0xc: {  	_ =	strace $0x80000047;
	s9 =	smul.u32 $0x3, s9;
	s6 =	sadd.s32 $0x1, s6  }
0xd: {  	s23 =	sadd.s32 $0xA000, s11;
	s4 =	sadd.s32 s12, s20;
	s6 =	sand.u32 $0xFF, s6  }
0xe: {  	s11 =	simm.s32 $0x2800;
	s22 =	ssub.s32 s8, s9;
	s13 =	smul.u32 $0xD4800, s6  }
0xf: {  	s25 =	sshrl.u32 s23, $0x3;
	s6 =	smul.u32 $0x2800, s6;
	s24 =	sand.u32 $0xFF, s22  }
0x10: {  	s3 =	sadd.s32 s10, s25;
	s9 =	smax.u32 s14, $0x1;
	s28 =	smul.u32 $0xD4800, s24  }
0x11: {  	s29 =	smul.u32 $0x2800, s24;
	s26 =	sadd.s32 s13, s23;
	s6 =	sadd.s32 s15, s6  }
0x12: {  	s5 =	sshrl.u32 s26, $0x3;
	s6 =	sshrl.u32 s6, $0x3;
	s30 =	sadd.s32 s28, s23  }
0x13: {  	s31 =	sadd.s32 s15, s29;
	s5 =	sadd.s32 s10, s5;
	s7 =	sshrl.u32 s30, $0x3  }
0x14: {  	s6 =	sadd.s32 s12, s6;
	s8 =	sshrl.u32 s31, $0x3;
	s7 =	sadd.s32 s10, s7  }
0x15: {  	s8 =	sadd.s32 s12, s8;
	s10 =	simm.s32 $0x1;
	s12 =	simm.s32 $0x0  }
.LBB2_1:
0x16: {  	[tilespmem:s2], [sflag:$0x1] =	stream.linear.gather [hbm4b:s3+s2], $0x2600, $0x38;
	[tilespmem:$0x5000] =	vst v63  }
0x17: {  	_ =	swait.ge [sflag:s10], $0x2600  }
0x18: {  	[sflag:s10] =	ssyncset.done $0x0  }
0x19: {  	s14 =	simm.s32 $0x0;
	[sflag:s10] =	ssyncadd.s32 $0xFFFFDA00  }
0x1a: {  	v0 =	vld [tilespmem:s14+$0x30]  }
0x1b: {  	v1 =	vld [tilespmem:s14+$0x3C];
	_ =	sdelay $0x3  }
0x1c: {  	v2 =	vld [tilespmem:s14+$0x0];
	v0 =	vsub.f32 $0.0e+00, v0  }
0x1d: {  	v3 =	vld [tilespmem:s14+$0x10];
	v1 =	vsub.f32 $0.0e+00, v1  }
0x1e: {  	v4 =	vld [tilespmem:s14+$0x20];
	v0 =	vmul.f32 $1.442695020e+00, v0  }
0x1f: {  	v1 =	vmul.f32 $1.442695020e+00, v1  }
0x20: {  	s13 =	simm.s32 $0x80;
	(erf) = vpow2.f32 v0  }
0x21: {  	v0 =	vsub.f32 $0.0e+00, v2;
	v2 =	vld [tilespmem:s13+$0x30];
	(erf) = vpow2.f32 v1  }
0x22: {  	v1 =	vsub.f32 $0.0e+00, v3;
	v3 =	vld [tilespmem:s13+$0x3C]  }
0x23: {  	v4 =	vsub.f32 $0.0e+00, v4;
	v0 =	vmul.f32 $1.442695020e+00, v0  }
0x24: {  	v1 =	vmul.f32 $1.442695020e+00, v1  }
0x25: {  	v5 =	vld [tilespmem:s13+$0x0];
	v4 =	vmul.f32 $1.442695020e+00, v4;
	(erf) = vpow2.f32 v0  }
0x26: {  	(erf) = vpow2.f32 v1;
	v1 =	vsub.f32 $0.0e+00, v2  }
0x27: {  	v3 =	vsub.f32 $0.0e+00, v3  }
0x28: {  	v0 =	vld [tilespmem:s13+$0x10];
	(erf) = vpow2.f32 v4;
	v1 =	vmul.f32 $1.442695020e+00, v1  }
0x29: {  	v2 =	vld [tilespmem:s13+$0x20];
	v3 =	vmul.f32 $1.442695020e+00, v3;
	v4 =	vpop (erf)  }
0x2a: {  	s15 =	simm.s32 $0x100;
	v5 =	vsub.f32 $0.0e+00, v5;
	(erf) = vpow2.f32 v1;
	v1 =	vadd.f32 $1.000000000e+00, v4;
	v4 =	vpop (erf)  }
0x2b: {  	v6 =	vld [tilespmem:s15+$0x30];
	(erf) = vpow2.f32 v3;
	v3 =	vadd.f32 $1.000000000e+00, v4  }
0x2c: {  	v4 =	vmul.f32 $1.442695020e+00, v5  }
0x2d: {  	v0 =	vsub.f32 $0.0e+00, v0;
	v5 =	vld [tilespmem:s15+$0x3C]  }
0x2e: {  	v2 =	vsub.f32 $0.0e+00, v2;
	(erf) = vrcp.f32 v1  }
0x2f: {  	v0 =	vmul.f32 $1.442695020e+00, v0;
	(erf) = vrcp.f32 v3;
	v3 =	vpop (erf)  }
0x30: {  	v7 =	vld [tilespmem:s15+$0x10];
	v6 =	vsub.f32 $0.0e+00, v6;
	v2 =	vmul.f32 $1.442695020e+00, v2;
	(erf) = vpow2.f32 v4;
	v4 =	vpop (erf)  }
0x31: {  	v1 =	vld [tilespmem:s15+$0x0];
	v3 =	vadd.f32 $1.000000000e+00, v3;
	(erf) = vpow2.f32 v0;
	v0 =	vadd.f32 $1.000000000e+00, v4;
	v4 =	vpop (erf)  }
0x32: {  	v8 =	vld [tilespmem:s15+$0x20];
	(erf) = vpow2.f32 v2;
	v2 =	vadd.f32 $1.000000000e+00, v4;
	v4 =	vsub.f32 $0.0e+00, v5  }
0x33: {  	v5 =	vmul.f32 $1.442695020e+00, v6  }
0x34: {  	(erf) = vrcp.f32 v3;
	v6 =	vmul.f32 $1.442695020e+00, v4  }
0x35: {  	(erf) = vrcp.f32 v0  }
0x36: {  	v3 =	vsub.f32 $0.0e+00, v1;
	v1 =	vsub.f32 $0.0e+00, v7;
	(erf) = vrcp.f32 v2;
	v0 =	vpop (erf)  }
0x37: {  	s16 =	simm.s32 $0x180;
	v2 =	vsub.f32 $0.0e+00, v8;
	(erf) = vpow2.f32 v5;
	v4 =	vadd.f32 $1.000000000e+00, v0;
	v5 =	vpop (erf)  }
0x38: {  	s17 =	simm.s32 $0x800;
	v3 =	vmul.f32 $1.442695020e+00, v3;
	v0 =	vld [tilespmem:s16+$0x30];
	(erf) = vpow2.f32 v6;
	v5 =	vadd.f32 $1.000000000e+00, v5;
	v6 =	vpop (erf)  }
.LBB2_2:
0x39: {  	p0 =	sne.s32 s17, $0x9600;
	v7 =	vld [tilespmem:s16+$0x3C];
	v1 =	vmul.f32 $1.442695020e+00, v1;
	(erf) = vrcp.f32 v4;
	[tilespmem:s14+$0x2830] =	vst v6;
	v4 =	vpop (erf)  }
0x3a: {  	v2 =	vmul.f32 $1.442695020e+00, v2;
	v6 =	vld [tilespmem:s16+$0x0];
	v8 =	vpop (erf);
	(erf) = vrcp.f32 v5;
	[tilespmem:s14+$0x283C] =	vst v4  }
0x3b: {  	v4 =	vld [tilespmem:s16+$0x10];
	(erf) = vpow2.f32 v3;
	v9 =	vadd.f32 $1.000000000e+00, v8;
	v5 =	vpop (erf)  }
0x3c: {  	v8 =	vld [tilespmem:s16+$0x20];
	(erf) = vpow2.f32 v1;
	v1 =	vadd.f32 $1.000000000e+00, v5;
	v5 =	vpop (erf)  }
0x3d: {  	v0 =	vsub.f32 $0.0e+00, v0;
	(erf) = vpow2.f32 v2;
	v2 =	vadd.f32 $1.000000000e+00, v5;
	v5 =	vpop (erf)  }
.Ltmp0:
0x3e: {  	v10 =	vsub.f32 $0.0e+00, v7;
	(erf) = vrcp.f32 v9;
	[tilespmem:s14+$0x2800] =	vst v5;
	v3 =	vpop (erf);
	(pc) =	sbr.rel @p0 .LBB2_2-.Ltmp0, $4  }
0x3f: {  	v5 =	vsub.f32 $0.0e+00, v6;
	v0 =	vmul.f32 $1.442695020e+00, v0;
	(erf) = vrcp.f32 v1;
	[tilespmem:s14+$0x2810] =	vst v3;
	v3 =	vpop (erf)  }
0x40: {  	v1 =	vsub.f32 $0.0e+00, v4;
	v9 =	vmul.f32 $1.442695020e+00, v10;
	v4 =	vpop (erf);
	(erf) = vrcp.f32 v2;
	[tilespmem:s14+$0x2820] =	vst v3;
	s14 =	smov.u32 s13;
	s13 =	smov.u32 s15;
	s15 =	smov.u32 s16  }
0x41: {  	s16 =	sshra.s32 s17, $0x2;
	v2 =	vsub.f32 $0.0e+00, v8;
	(erf) = vpow2.f32 v0;
	v4 =	vadd.f32 $1.000000000e+00, v4;
	v7 =	vpop (erf)  }
0x42: {  	s17 =	sadd.s32 $0x200, s17;
	v3 =	vmul.f32 $1.442695020e+00, v5;
	v0 =	vld [tilespmem:s16+$0x30];
	(erf) = vpow2.f32 v9;
	v5 =	vadd.f32 $1.000000000e+00, v7;
	v6 =	vpop (erf)  }
0x43: {  	(erf) = vrcp.f32 v4;
	v4 =	vpop (erf);
	v1 =	vmul.f32 $1.442695020e+00, v1  }
0x44: {  	v7 =	vld [tilespmem:s16+$0x3C];
	[tilespmem:s14+$0x2830] =	vst v6;
	v2 =	vmul.f32 $1.442695020e+00, v2;
	v6 =	vpop (erf);
	(erf) = vrcp.f32 v5  }
0x45: {  	v5 =	vld [tilespmem:s16+$0x0];
	[tilespmem:s14+$0x283C] =	vst v4;
	(erf) = vpow2.f32 v3;
	v3 =	vpop (erf);
	v4 =	vadd.f32 $1.000000000e+00, v6  }
0x46: {  	v3 =	vadd.f32 $1.000000000e+00, v3  }
0x47: {  	v6 =	vld [tilespmem:s16+$0x10];
	(erf) = vpow2.f32 v1;
	v1 =	vpop (erf)  }
0x48: {  	v8 =	vld [tilespmem:s16+$0x20];
	v0 =	vsub.f32 $0.0e+00, v0;
	(erf) = vpow2.f32 v2;
	v2 =	vpop (erf)  }
0x49: {  	v1 =	vadd.f32 $1.000000000e+00, v1;
	v7 =	vsub.f32 $0.0e+00, v7;
	(erf) = vrcp.f32 v4;
	v4 =	vpop (erf)  }
0x4a: {  	v0 =	vmul.f32 $1.442695020e+00, v0;
	(erf) = vrcp.f32 v3;
	v3 =	vpop (erf)  }
0x4b: {  	v7 =	vmul.f32 $1.442695020e+00, v7;
	(erf) = vrcp.f32 v1;
	v9 =	vpop (erf)  }
0x4c: {  	v1 =	vsub.f32 $0.0e+00, v5;
	(erf) = vpow2.f32 v0;
	v0 =	vadd.f32 $1.000000000e+00, v9  }
0x4d: {  	v6 =	vsub.f32 $0.0e+00, v6;
	v8 =	vsub.f32 $0.0e+00, v8;
	v5 =	vpop (erf)  }
0x4e: {  	(erf) = vpow2.f32 v7;
	v1 =	vmul.f32 $1.442695020e+00, v1;
	v5 =	vadd.f32 $1.000000000e+00, v5  }
0x4f: {  	v6 =	vmul.f32 $1.442695020e+00, v6;
	v7 =	vpop (erf);
	(erf) = vrcp.f32 v0  }
0x50: {  	v0 =	vpop (erf);
	(erf) = vrcp.f32 v5;
	v5 =	vmul.f32 $1.442695020e+00, v8  }
0x51: {  	v63 =	vpop (erf)  }
0x52: {  	(erf) = vpow2.f32 v1;
	v1 =	vpop (erf)  }
0x53: {  	(erf) = vpow2.f32 v6;
	v6 =	vpop (erf)  }
0x54: {  	(erf) = vpow2.f32 v5;
	v5 =	vpop (erf)  }
0x55: {  	v9 =	vadd.f32 $1.000000000e+00, v63;
	v8 =	vpop (erf)  }
0x56: {  	v1 =	vadd.f32 $1.000000000e+00, v1;
	v10 =	vpop (erf)  }
0x57: {  	[tilespmem:s14+$0x2800] =	vst v2;
	v2 =	vadd.f32 $1.000000000e+00, v6;
	(erf) = vrcp.f32 v9;
	v11 =	vpop (erf)  }
0x58: {  	(erf) = vrcp.f32 v1;
	v12 =	vpop (erf)  }
0x59: {  	(erf) = vrcp.f32 v2;
	v6 =	vpop (erf);
	v2 =	vadd.f32 $1.000000000e+00, v12  }
0x5a: {  	[tilespmem:s14+$0x2810] =	vst v4;
	v1 =	vadd.f32 $1.000000000e+00, v11;
	v4 =	vpop (erf)  }
0x5b: {  	[tilespmem:s14+$0x2820] =	vst v3;
	v3 =	vpop (erf)  }
0x5c: {  	[tilespmem:s13+$0x2830] =	vst v7;
	(erf) = vrcp.f32 v1;
	v1 =	vadd.f32 $1.000000000e+00, v3;
	v3 =	vpop (erf)  }
0x5d: {  	[tilespmem:s13+$0x283C] =	vst v0;
	(erf) = vrcp.f32 v2;
	v0 =	vadd.f32 $1.000000000e+00, v3;
	v2 =	vpop (erf)  }
0x5e: {  	[tilespmem:s13+$0x2800] =	vst v5;
	v2 =	vadd.f32 $1.000000000e+00, v2;
	(erf) = vrcp.f32 v1  }
0x5f: {  	[tilespmem:s13+$0x2810] =	vst v8;
	(erf) = vrcp.f32 v0  }
0x60: {  	[tilespmem:s13+$0x2820] =	vst v10;
	(erf) = vrcp.f32 v2  }
0x61: {  	[tilespmem:s15+$0x2830] =	vst v6  }
0x62: {  	[tilespmem:s15+$0x283C] =	vst v4;
	v0 =	vpop (erf)  }
0x63: {  	[tilespmem:s15+$0x2800] =	vst v0;
	v0 =	vpop (erf)  }
0x64: {  	[tilespmem:s15+$0x2810] =	vst v0;
	v0 =	vpop (erf)  }
0x65: {  	[tilespmem:s15+$0x2820] =	vst v0;
	v0 =	vpop (erf)  }
0x66: {  	[tilespmem:s16+$0x2830] =	vst v0;
	v0 =	vpop (erf)  }
0x67: {  	[tilespmem:s16+$0x283C] =	vst v0;
	v0 =	vpop (erf)  }
0x68: {  	[tilespmem:s16+$0x2800] =	vst v0;
	v0 =	vpop (erf)  }
0x69: {  	[tilespmem:s16+$0x2810] =	vst v0;
	v0 =	vpop (erf)  }
0x6a: {  	s31 =	simm.s32 $0x0;
	[tilespmem:s16+$0x2820] =	vst v0  }
0x6b: {  	[hbm4b:s4+s31] =	stream.linear.scatter [tilespmem:s11], [sflag:$0x1], $0x2600, $0x38;
	[tilespmem:$0x5000] =	vst v63  }
0x6c: {  	_ =	swait.ge [sflag:s10], $0x2600  }
0x6d: {  	[sflag:s10] =	ssyncset.done $0x0  }
0x6e: {  	[sflag:s10] =	ssyncadd.s32 $0xFFFFDA00  }
0x6f: {  	[tilespmem:s31], [sflag:$0x1] =	stream.linear.gather [hbm4b:s5+s31], $0x2600, $0x38;
	[tilespmem:$0x5000] =	vst v63  }
0x70: {  	_ =	swait.ge [sflag:s10], $0x2600  }
0x71: {  	[sflag:s10] =	ssyncset.done $0x0  }
0x72: {  	s14 =	simm.s32 $0x0;
	[sflag:s10] =	ssyncadd.s32 $0xFFFFDA00  }
0x73: {  	v0 =	vld [tilespmem:s14+$0x30]  }
0x74: {  	v1 =	vld [tilespmem:s14+$0x3C];
	_ =	sdelay $0x3  }
0x75: {  	v2 =	vld [tilespmem:s14+$0x0];
	v0 =	vsub.f32 $0.0e+00, v0  }
0x76: {  	v3 =	vld [tilespmem:s14+$0x10];
	v1 =	vsub.f32 $0.0e+00, v1  }
0x77: {  	v4 =	vld [tilespmem:s14+$0x20];
	v0 =	vmul.f32 $1.442695020e+00, v0  }
0x78: {  	v1 =	vmul.f32 $1.442695020e+00, v1  }
0x79: {  	s13 =	simm.s32 $0x80;
	(erf) = vpow2.f32 v0  }
0x7a: {  	v0 =	vsub.f32 $0.0e+00, v2;
	v2 =	vld [tilespmem:s13+$0x30];
	(erf) = vpow2.f32 v1  }
0x7b: {  	v1 =	vsub.f32 $0.0e+00, v3;
	v3 =	vld [tilespmem:s13+$0x3C]  }
0x7c: {  	v4 =	vsub.f32 $0.0e+00, v4;
	v0 =	vmul.f32 $1.442695020e+00, v0  }
0x7d: {  	v1 =	vmul.f32 $1.442695020e+00, v1  }
0x7e: {  	v5 =	vld [tilespmem:s13+$0x0];
	v4 =	vmul.f32 $1.442695020e+00, v4;
	(erf) = vpow2.f32 v0  }
0x7f: {  	(erf) = vpow2.f32 v1;
	v1 =	vsub.f32 $0.0e+00, v2  }
0x80: {  	v3 =	vsub.f32 $0.0e+00, v3  }
0x81: {  	v0 =	vld [tilespmem:s13+$0x10];
	(erf) = vpow2.f32 v4;
	v1 =	vmul.f32 $1.442695020e+00, v1  }
0x82: {  	v2 =	vld [tilespmem:s13+$0x20];
	v3 =	vmul.f32 $1.442695020e+00, v3;
	v4 =	vpop (erf)  }
0x83: {  	s15 =	simm.s32 $0x100;
	v5 =	vsub.f32 $0.0e+00, v5;
	(erf) = vpow2.f32 v1;
	v1 =	vadd.f32 $1.000000000e+00, v4;
	v4 =	vpop (erf)  }
0x84: {  	v6 =	vld [tilespmem:s15+$0x30];
	(erf) = vpow2.f32 v3;
	v3 =	vadd.f32 $1.000000000e+00, v4  }
0x85: {  	v4 =	vmul.f32 $1.442695020e+00, v5  }
0x86: {  	v0 =	vsub.f32 $0.0e+00, v0;
	v5 =	vld [tilespmem:s15+$0x3C]  }
0x87: {  	v2 =	vsub.f32 $0.0e+00, v2;
	(erf) = vrcp.f32 v1  }
0x88: {  	v0 =	vmul.f32 $1.442695020e+00, v0;
	(erf) = vrcp.f32 v3;
	v3 =	vpop (erf)  }
0x89: {  	v7 =	vld [tilespmem:s15+$0x10];
	v6 =	vsub.f32 $0.0e+00, v6;
	v2 =	vmul.f32 $1.442695020e+00, v2;
	(erf) = vpow2.f32 v4;
	v4 =	vpop (erf)  }
0x8a: {  	v1 =	vld [tilespmem:s15+$0x0];
	(erf) = vpow2.f32 v0;
	v3 =	vadd.f32 $1.000000000e+00, v3;
	v0 =	vadd.f32 $1.000000000e+00, v4;
	v4 =	vpop (erf)  }
0x8b: {  	v8 =	vld [tilespmem:s15+$0x20];
	(erf) = vpow2.f32 v2;
	v2 =	vadd.f32 $1.000000000e+00, v4;
	v4 =	vsub.f32 $0.0e+00, v5  }
0x8c: {  	v5 =	vmul.f32 $1.442695020e+00, v6  }
0x8d: {  	(erf) = vrcp.f32 v3;
	v6 =	vmul.f32 $1.442695020e+00, v4  }
0x8e: {  	(erf) = vrcp.f32 v0  }
0x8f: {  	v3 =	vsub.f32 $0.0e+00, v1;
	v1 =	vsub.f32 $0.0e+00, v7;
	(erf) = vrcp.f32 v2;
	v0 =	vpop (erf)  }
0x90: {  	s16 =	simm.s32 $0x180;
	v2 =	vsub.f32 $0.0e+00, v8;
	(erf) = vpow2.f32 v5;
	v4 =	vadd.f32 $1.000000000e+00, v0;
	v5 =	vpop (erf)  }
0x91: {  	s17 =	simm.s32 $0x800;
	v3 =	vmul.f32 $1.442695020e+00, v3;
	v0 =	vld [tilespmem:s16+$0x30];
	(erf) = vpow2.f32 v6;
	v5 =	vadd.f32 $1.000000000e+00, v5;
	v6 =	vpop (erf)  }
.LBB2_4:
0x92: {  	p0 =	sne.s32 s17, $0x9600;
	v7 =	vld [tilespmem:s16+$0x3C];
	v1 =	vmul.f32 $1.442695020e+00, v1;
	(erf) = vrcp.f32 v4;
	[tilespmem:s14+$0x2830] =	vst v6;
	v4 =	vpop (erf)  }
0x93: {  	v2 =	vmul.f32 $1.442695020e+00, v2;
	v6 =	vld [tilespmem:s16+$0x0];
	v8 =	vpop (erf);
	(erf) = vrcp.f32 v5;
	[tilespmem:s14+$0x283C] =	vst v4  }
0x94: {  	v4 =	vld [tilespmem:s16+$0x10];
	(erf) = vpow2.f32 v3;
	v9 =	vadd.f32 $1.000000000e+00, v8;
	v5 =	vpop (erf)  }
0x95: {  	v8 =	vld [tilespmem:s16+$0x20];
	(erf) = vpow2.f32 v1;
	v1 =	vadd.f32 $1.000000000e+00, v5;
	v5 =	vpop (erf)  }
0x96: {  	v0 =	vsub.f32 $0.0e+00, v0;
	(erf) = vpow2.f32 v2;
	v2 =	vadd.f32 $1.000000000e+00, v5;
	v5 =	vpop (erf)  }
.Ltmp1:
0x97: {  	v10 =	vsub.f32 $0.0e+00, v7;
	(erf) = vrcp.f32 v9;
	[tilespmem:s14+$0x2800] =	vst v5;
	v3 =	vpop (erf);
	(pc) =	sbr.rel @p0 .LBB2_4-.Ltmp1, $4  }
0x98: {  	v5 =	vsub.f32 $0.0e+00, v6;
	v0 =	vmul.f32 $1.442695020e+00, v0;
	(erf) = vrcp.f32 v1;
	[tilespmem:s14+$0x2810] =	vst v3;
	v3 =	vpop (erf)  }
0x99: {  	v1 =	vsub.f32 $0.0e+00, v4;
	v9 =	vmul.f32 $1.442695020e+00, v10;
	v4 =	vpop (erf);
	(erf) = vrcp.f32 v2;
	[tilespmem:s14+$0x2820] =	vst v3;
	s14 =	smov.u32 s13;
	s13 =	smov.u32 s15;
	s15 =	smov.u32 s16  }
0x9a: {  	s16 =	sshra.s32 s17, $0x2;
	v2 =	vsub.f32 $0.0e+00, v8;
	(erf) = vpow2.f32 v0;
	v4 =	vadd.f32 $1.000000000e+00, v4;
	v7 =	vpop (erf)  }
0x9b: {  	s17 =	sadd.s32 $0x200, s17;
	v3 =	vmul.f32 $1.442695020e+00, v5;
	v0 =	vld [tilespmem:s16+$0x30];
	(erf) = vpow2.f32 v9;
	v5 =	vadd.f32 $1.000000000e+00, v7;
	v6 =	vpop (erf)  }
0x9c: {  	(erf) = vrcp.f32 v4;
	v4 =	vpop (erf);
	v1 =	vmul.f32 $1.442695020e+00, v1  }
0x9d: {  	v7 =	vld [tilespmem:s16+$0x3C];
	[tilespmem:s14+$0x2830] =	vst v6;
	v2 =	vmul.f32 $1.442695020e+00, v2;
	v6 =	vpop (erf);
	(erf) = vrcp.f32 v5  }
0x9e: {  	v5 =	vld [tilespmem:s16+$0x0];
	[tilespmem:s14+$0x283C] =	vst v4;
	(erf) = vpow2.f32 v3;
	v3 =	vpop (erf);
	v4 =	vadd.f32 $1.000000000e+00, v6  }
0x9f: {  	v3 =	vadd.f32 $1.000000000e+00, v3  }
0xa0: {  	v6 =	vld [tilespmem:s16+$0x10];
	(erf) = vpow2.f32 v1;
	v1 =	vpop (erf)  }
0xa1: {  	v8 =	vld [tilespmem:s16+$0x20];
	v0 =	vsub.f32 $0.0e+00, v0;
	(erf) = vpow2.f32 v2;
	v2 =	vpop (erf)  }
0xa2: {  	v1 =	vadd.f32 $1.000000000e+00, v1;
	v7 =	vsub.f32 $0.0e+00, v7;
	(erf) = vrcp.f32 v4;
	v4 =	vpop (erf)  }
0xa3: {  	v0 =	vmul.f32 $1.442695020e+00, v0;
	(erf) = vrcp.f32 v3;
	v3 =	vpop (erf)  }
0xa4: {  	v7 =	vmul.f32 $1.442695020e+00, v7;
	(erf) = vrcp.f32 v1;
	v9 =	vpop (erf)  }
0xa5: {  	v1 =	vsub.f32 $0.0e+00, v5;
	(erf) = vpow2.f32 v0;
	v0 =	vadd.f32 $1.000000000e+00, v9  }
0xa6: {  	v6 =	vsub.f32 $0.0e+00, v6;
	v8 =	vsub.f32 $0.0e+00, v8;
	v5 =	vpop (erf)  }
0xa7: {  	(erf) = vpow2.f32 v7;
	v1 =	vmul.f32 $1.442695020e+00, v1;
	v5 =	vadd.f32 $1.000000000e+00, v5  }
0xa8: {  	v6 =	vmul.f32 $1.442695020e+00, v6;
	v7 =	vpop (erf);
	(erf) = vrcp.f32 v0  }
0xa9: {  	v0 =	vpop (erf);
	(erf) = vrcp.f32 v5;
	v5 =	vmul.f32 $1.442695020e+00, v8  }
0xaa: {  	v63 =	vpop (erf)  }
0xab: {  	(erf) = vpow2.f32 v1;
	v1 =	vpop (erf)  }
0xac: {  	(erf) = vpow2.f32 v6;
	v6 =	vpop (erf)  }
0xad: {  	(erf) = vpow2.f32 v5;
	v5 =	vpop (erf)  }
0xae: {  	v9 =	vadd.f32 $1.000000000e+00, v63;
	v8 =	vpop (erf)  }
0xaf: {  	v1 =	vadd.f32 $1.000000000e+00, v1;
	v10 =	vpop (erf)  }
0xb0: {  	[tilespmem:s14+$0x2800] =	vst v2;
	v2 =	vadd.f32 $1.000000000e+00, v6;
	(erf) = vrcp.f32 v9;
	v11 =	vpop (erf)  }
0xb1: {  	(erf) = vrcp.f32 v1;
	v12 =	vpop (erf)  }
0xb2: {  	(erf) = vrcp.f32 v2;
	v6 =	vpop (erf);
	v2 =	vadd.f32 $1.000000000e+00, v12  }
0xb3: {  	[tilespmem:s14+$0x2810] =	vst v4;
	v1 =	vadd.f32 $1.000000000e+00, v11;
	v4 =	vpop (erf)  }
0xb4: {  	[tilespmem:s14+$0x2820] =	vst v3;
	v3 =	vpop (erf)  }
0xb5: {  	[tilespmem:s13+$0x2830] =	vst v7;
	(erf) = vrcp.f32 v1;
	v1 =	vadd.f32 $1.000000000e+00, v3;
	v3 =	vpop (erf)  }
0xb6: {  	[tilespmem:s13+$0x283C] =	vst v0;
	(erf) = vrcp.f32 v2;
	v0 =	vadd.f32 $1.000000000e+00, v3;
	v2 =	vpop (erf)  }
0xb7: {  	[tilespmem:s13+$0x2800] =	vst v5;
	v2 =	vadd.f32 $1.000000000e+00, v2;
	(erf) = vrcp.f32 v1  }
0xb8: {  	[tilespmem:s13+$0x2810] =	vst v8;
	(erf) = vrcp.f32 v0  }
0xb9: {  	[tilespmem:s13+$0x2820] =	vst v10;
	(erf) = vrcp.f32 v2  }
0xba: {  	[tilespmem:s15+$0x2830] =	vst v6  }
0xbb: {  	[tilespmem:s15+$0x283C] =	vst v4;
	v0 =	vpop (erf)  }
0xbc: {  	[tilespmem:s15+$0x2800] =	vst v0;
	v0 =	vpop (erf)  }
0xbd: {  	[tilespmem:s15+$0x2810] =	vst v0;
	v0 =	vpop (erf)  }
0xbe: {  	[tilespmem:s15+$0x2820] =	vst v0;
	v0 =	vpop (erf)  }
0xbf: {  	[tilespmem:s16+$0x2830] =	vst v0;
	v0 =	vpop (erf)  }
0xc0: {  	[tilespmem:s16+$0x283C] =	vst v0;
	v0 =	vpop (erf)  }
0xc1: {  	[tilespmem:s16+$0x2800] =	vst v0;
	v0 =	vpop (erf)  }
0xc2: {  	[tilespmem:s16+$0x2810] =	vst v0;
	v0 =	vpop (erf)  }
0xc3: {  	s31 =	simm.s32 $0x0;
	[tilespmem:s16+$0x2820] =	vst v0  }
0xc4: {  	[hbm4b:s6+s31] =	stream.linear.scatter [tilespmem:s11], [sflag:$0x1], $0x2600, $0x38;
	[tilespmem:$0x5000] =	vst v63  }
0xc5: {  	_ =	swait.ge [sflag:s10], $0x2600  }
0xc6: {  	[sflag:s10] =	ssyncset.done $0x0  }
0xc7: {  	[sflag:s10] =	ssyncadd.s32 $0xFFFFDA00  }
0xc8: {  	[tilespmem:s31], [sflag:$0x1] =	stream.linear.gather [hbm4b:s7+s31], $0x2600, $0x38;
	[tilespmem:$0x5000] =	vst v63  }
0xc9: {  	_ =	swait.ge [sflag:s10], $0x2600  }
0xca: {  	[sflag:s10] =	ssyncset.done $0x0  }
0xcb: {  	s14 =	simm.s32 $0x0;
	[sflag:s10] =	ssyncadd.s32 $0xFFFFDA00  }
0xcc: {  	v0 =	vld [tilespmem:s14+$0x30]  }
0xcd: {  	v1 =	vld [tilespmem:s14+$0x3C];
	_ =	sdelay $0x3  }
0xce: {  	v2 =	vld [tilespmem:s14+$0x0];
	v0 =	vsub.f32 $0.0e+00, v0  }
0xcf: {  	v3 =	vld [tilespmem:s14+$0x10];
	v1 =	vsub.f32 $0.0e+00, v1  }
0xd0: {  	v4 =	vld [tilespmem:s14+$0x20];
	v0 =	vmul.f32 $1.442695020e+00, v0  }
0xd1: {  	v1 =	vmul.f32 $1.442695020e+00, v1  }
0xd2: {  	s13 =	simm.s32 $0x80;
	(erf) = vpow2.f32 v0  }
0xd3: {  	v0 =	vsub.f32 $0.0e+00, v2;
	v2 =	vld [tilespmem:s13+$0x30];
	(erf) = vpow2.f32 v1  }
0xd4: {  	v1 =	vsub.f32 $0.0e+00, v3;
	v3 =	vld [tilespmem:s13+$0x3C]  }
0xd5: {  	v4 =	vsub.f32 $0.0e+00, v4;
	v0 =	vmul.f32 $1.442695020e+00, v0  }
0xd6: {  	v1 =	vmul.f32 $1.442695020e+00, v1  }
0xd7: {  	v5 =	vld [tilespmem:s13+$0x0];
	v4 =	vmul.f32 $1.442695020e+00, v4;
	(erf) = vpow2.f32 v0  }
0xd8: {  	(erf) = vpow2.f32 v1;
	v1 =	vsub.f32 $0.0e+00, v2  }
0xd9: {  	v3 =	vsub.f32 $0.0e+00, v3  }
0xda: {  	v0 =	vld [tilespmem:s13+$0x10];
	(erf) = vpow2.f32 v4;
	v1 =	vmul.f32 $1.442695020e+00, v1  }
0xdb: {  	v2 =	vld [tilespmem:s13+$0x20];
	v3 =	vmul.f32 $1.442695020e+00, v3;
	v4 =	vpop (erf)  }
0xdc: {  	s15 =	simm.s32 $0x100;
	v5 =	vsub.f32 $0.0e+00, v5;
	(erf) = vpow2.f32 v1;
	v1 =	vadd.f32 $1.000000000e+00, v4;
	v4 =	vpop (erf)  }
0xdd: {  	v6 =	vld [tilespmem:s15+$0x30];
	(erf) = vpow2.f32 v3;
	v3 =	vadd.f32 $1.000000000e+00, v4  }
0xde: {  	v4 =	vmul.f32 $1.442695020e+00, v5  }
0xdf: {  	v0 =	vsub.f32 $0.0e+00, v0;
	v5 =	vld [tilespmem:s15+$0x3C]  }
0xe0: {  	v2 =	vsub.f32 $0.0e+00, v2;
	(erf) = vrcp.f32 v1  }
0xe1: {  	v0 =	vmul.f32 $1.442695020e+00, v0;
	(erf) = vrcp.f32 v3;
	v3 =	vpop (erf)  }
0xe2: {  	v7 =	vld [tilespmem:s15+$0x10];
	v6 =	vsub.f32 $0.0e+00, v6;
	v2 =	vmul.f32 $1.442695020e+00, v2;
	(erf) = vpow2.f32 v4;
	v4 =	vpop (erf)  }
0xe3: {  	v1 =	vld [tilespmem:s15+$0x0];
	(erf) = vpow2.f32 v0;
	v3 =	vadd.f32 $1.000000000e+00, v3;
	v0 =	vadd.f32 $1.000000000e+00, v4;
	v4 =	vpop (erf)  }
0xe4: {  	v8 =	vld [tilespmem:s15+$0x20];
	(erf) = vpow2.f32 v2;
	v2 =	vadd.f32 $1.000000000e+00, v4;
	v4 =	vsub.f32 $0.0e+00, v5  }
0xe5: {  	v5 =	vmul.f32 $1.442695020e+00, v6  }
0xe6: {  	(erf) = vrcp.f32 v3;
	v6 =	vmul.f32 $1.442695020e+00, v4  }
0xe7: {  	(erf) = vrcp.f32 v0  }
0xe8: {  	v3 =	vsub.f32 $0.0e+00, v1;
	v1 =	vsub.f32 $0.0e+00, v7;
	(erf) = vrcp.f32 v2;
	v0 =	vpop (erf)  }
0xe9: {  	s16 =	simm.s32 $0x180;
	v2 =	vsub.f32 $0.0e+00, v8;
	(erf) = vpow2.f32 v5;
	v4 =	vadd.f32 $1.000000000e+00, v0;
	v5 =	vpop (erf)  }
0xea: {  	s17 =	simm.s32 $0x800;
	v3 =	vmul.f32 $1.442695020e+00, v3;
	v0 =	vld [tilespmem:s16+$0x30];
	(erf) = vpow2.f32 v6;
	v5 =	vadd.f32 $1.000000000e+00, v5;
	v6 =	vpop (erf)  }
.LBB2_6:
0xeb: {  	p0 =	sne.s32 s17, $0x9600;
	v7 =	vld [tilespmem:s16+$0x3C];
	v1 =	vmul.f32 $1.442695020e+00, v1;
	(erf) = vrcp.f32 v4;
	[tilespmem:s14+$0x2830] =	vst v6;
	v4 =	vpop (erf)  }
0xec: {  	v2 =	vmul.f32 $1.442695020e+00, v2;
	v6 =	vld [tilespmem:s16+$0x0];
	v8 =	vpop (erf);
	(erf) = vrcp.f32 v5;
	[tilespmem:s14+$0x283C] =	vst v4  }
0xed: {  	v4 =	vld [tilespmem:s16+$0x10];
	(erf) = vpow2.f32 v3;
	v9 =	vadd.f32 $1.000000000e+00, v8;
	v5 =	vpop (erf)  }
0xee: {  	v8 =	vld [tilespmem:s16+$0x20];
	(erf) = vpow2.f32 v1;
	v1 =	vadd.f32 $1.000000000e+00, v5;
	v5 =	vpop (erf)  }
0xef: {  	v0 =	vsub.f32 $0.0e+00, v0;
	(erf) = vpow2.f32 v2;
	v2 =	vadd.f32 $1.000000000e+00, v5;
	v5 =	vpop (erf)  }
.Ltmp2:
0xf0: {  	v10 =	vsub.f32 $0.0e+00, v7;
	(erf) = vrcp.f32 v9;
	[tilespmem:s14+$0x2800] =	vst v5;
	v3 =	vpop (erf);
	(pc) =	sbr.rel @p0 .LBB2_6-.Ltmp2, $4  }
0xf1: {  	v5 =	vsub.f32 $0.0e+00, v6;
	v0 =	vmul.f32 $1.442695020e+00, v0;
	(erf) = vrcp.f32 v1;
	[tilespmem:s14+$0x2810] =	vst v3;
	v3 =	vpop (erf)  }
0xf2: {  	v1 =	vsub.f32 $0.0e+00, v4;
	v9 =	vmul.f32 $1.442695020e+00, v10;
	v4 =	vpop (erf);
	(erf) = vrcp.f32 v2;
	[tilespmem:s14+$0x2820] =	vst v3;
	s14 =	smov.u32 s13;
	s13 =	smov.u32 s15;
	s15 =	smov.u32 s16  }
0xf3: {  	s16 =	sshra.s32 s17, $0x2;
	v2 =	vsub.f32 $0.0e+00, v8;
	(erf) = vpow2.f32 v0;
	v4 =	vadd.f32 $1.000000000e+00, v4;
	v7 =	vpop (erf)  }
0xf4: {  	s17 =	sadd.s32 $0x200, s17;
	v3 =	vmul.f32 $1.442695020e+00, v5;
	v0 =	vld [tilespmem:s16+$0x30];
	(erf) = vpow2.f32 v9;
	v5 =	vadd.f32 $1.000000000e+00, v7;
	v6 =	vpop (erf)  }
0xf5: {  	v7 =	vld [tilespmem:s16+$0x3C];
	(erf) = vrcp.f32 v4;
	v25 =	vpop (erf)  }
0xf6: {  	v1 =	vmul.f32 $1.442695020e+00, v1;
	v26 =	vpop (erf);
	(erf) = vrcp.f32 v5  }
0xf7: {  	[tilespmem:s14+$0x2830] =	vst v6;
	v2 =	vmul.f32 $1.442695020e+00, v2;
	(erf) = vpow2.f32 v3;
	v28 =	vpop (erf)  }
0xf8: {  	v27 =	vld [tilespmem:s16+$0x0];
	[tilespmem:s14+$0x283C] =	vst v25;
	v29 =	vadd.f32 $1.000000000e+00, v26;
	(erf) = vpow2.f32 v1;
	v30 =	vpop (erf)  }
0xf9: {  	v31 =	vld [tilespmem:s16+$0x10];
	v3 =	vadd.f32 $1.000000000e+00, v28;
	v0 =	vsub.f32 $0.0e+00, v0;
	(erf) = vpow2.f32 v2;
	v32 =	vpop (erf)  }
0xfa: {  	v8 =	vld [tilespmem:s16+$0x20];
	v1 =	vadd.f32 $1.000000000e+00, v30;
	v7 =	vsub.f32 $0.0e+00, v7;
	(erf) = vrcp.f32 v29;
	v33 =	vpop (erf)  }
0xfb: {  	v0 =	vmul.f32 $1.442695020e+00, v0;
	(erf) = vrcp.f32 v3;
	v34 =	vpop (erf)  }
0xfc: {  	v7 =	vmul.f32 $1.442695020e+00, v7;
	v9 =	vpop (erf);
	(erf) = vrcp.f32 v1  }
0xfd: {  	v35 =	vsub.f32 $0.0e+00, v27;
	(erf) = vpow2.f32 v0;
	v36 =	vadd.f32 $1.000000000e+00, v9;
	v37 =	vpop (erf)  }
0xfe: {  	v6 =	vsub.f32 $0.0e+00, v31;
	(erf) = vpow2.f32 v7;
	v5 =	vadd.f32 $1.000000000e+00, v37;
	v38 =	vpop (erf)  }
0xff: {  	v8 =	vsub.f32 $0.0e+00, v8;
	v1 =	vmul.f32 $1.442695020e+00, v35;
	(erf) = vrcp.f32 v36;
	v39 =	vpop (erf)  }
0x100: {  	v6 =	vmul.f32 $1.442695020e+00, v6;
	v40 =	vpop (erf);
	(erf) = vrcp.f32 v5  }
0x101: {  	v41 =	vmul.f32 $1.442695020e+00, v8;
	(erf) = vpow2.f32 v1;
	v42 =	vpop (erf)  }
0x102: {  	(erf) = vpow2.f32 v6;
	v43 =	vpop (erf)  }
0x103: {  	(erf) = vpow2.f32 v41;
	v44 =	vpop (erf)  }
0x104: {  	v45 =	vpop (erf)  }
0x105: {  	v10 =	vpop (erf)  }
0x106: {  	v9 =	vadd.f32 $1.000000000e+00, v40;
	v11 =	vpop (erf)  }
0x107: {  	v1 =	vadd.f32 $1.000000000e+00, v42;
	v12 =	vpop (erf)  }
0x108: {  	[tilespmem:s14+$0x2800] =	vst v32;
	v46 =	vadd.f32 $1.000000000e+00, v43;
	(erf) = vrcp.f32 v9;
	v47 =	vpop (erf)  }
0x109: {  	[tilespmem:s14+$0x2810] =	vst v33;
	(erf) = vrcp.f32 v1;
	v48 =	vadd.f32 $1.000000000e+00, v11;
	v49 =	vpop (erf)  }
0x10a: {  	[tilespmem:s14+$0x2820] =	vst v34;
	(erf) = vrcp.f32 v46;
	v50 =	vadd.f32 $1.000000000e+00, v12;
	v51 =	vpop (erf)  }
0x10b: {  	[tilespmem:s13+$0x2830] =	vst v38;
	(erf) = vrcp.f32 v48;
	v52 =	vadd.f32 $1.000000000e+00, v51;
	v53 =	vpop (erf)  }
0x10c: {  	[tilespmem:s13+$0x283C] =	vst v39;
	(erf) = vrcp.f32 v50;
	v54 =	vadd.f32 $1.000000000e+00, v53;
	v55 =	vpop (erf)  }
0x10d: {  	[tilespmem:s13+$0x2800] =	vst v44;
	v2 =	vadd.f32 $1.000000000e+00, v55;
	(erf) = vrcp.f32 v52  }
0x10e: {  	[tilespmem:s13+$0x2810] =	vst v45;
	(erf) = vrcp.f32 v54  }
0x10f: {  	[tilespmem:s13+$0x2820] =	vst v10;
	(erf) = vrcp.f32 v2  }
0x110: {  	[tilespmem:s15+$0x2830] =	vst v47  }
0x111: {  	[tilespmem:s15+$0x283C] =	vst v49;
	v56 =	vpop (erf)  }
0x112: {  	[tilespmem:s15+$0x2800] =	vst v56;
	v57 =	vpop (erf)  }
0x113: {  	[tilespmem:s15+$0x2810] =	vst v57;
	v58 =	vpop (erf)  }
0x114: {  	[tilespmem:s15+$0x2820] =	vst v58;
	v59 =	vpop (erf)  }
0x115: {  	[tilespmem:s16+$0x2830] =	vst v59;
	v60 =	vpop (erf)  }
0x116: {  	[tilespmem:s16+$0x283C] =	vst v60;
	v61 =	vpop (erf)  }
0x117: {  	s12 =	sadd.s32 $0x1, s12;
	[tilespmem:s16+$0x2800] =	vst v61;
	v62 =	vpop (erf)  }
0x118: {  	p0 =	sne.s32 s12, s9;
	[tilespmem:s16+$0x2810] =	vst v62;
	v63 =	vpop (erf)  }
.Ltmp3:
0x119: {  	[tilespmem:s16+$0x2820] =	vst v63;
	(pc) =	sbr.rel @p0 .LBB2_1-.Ltmp3, $4  }
0x11a: {  	[hbm4b:s8+s2] =	stream.linear.scatter [tilespmem:s11], [sflag:$0x1], $0x2600, $0x38;
	[tilespmem:$0x5000] =	vst v63  }
0x11b: {  	_ =	swait.ge [sflag:s10], $0x2600  }
0x11c: {  	[sflag:s10] =	ssyncset.done $0x0  }
0x11d: {  	[sflag:s10] =	ssyncadd.s32 $0xFFFFDA00  }
0x11e: {  	_ =	sfence.sel $0x180000  }
0x11f: {  	[bflag:$0x0] =	sbarrier.arrive $0xFFFF  }
0x120: {  	p0 =	sne.s32 s0, $0x0;
	_ =	strace $0x90000047  }
0x121: {  	s0 =	sadd.s32 @!p0 $0x100000, s1;
	[bflag:$0x2] =	sbarrier.arrive $0xFFFF  }
0x122: {  	[sflag:s0] =	ssyncadd.tile.s32 @!p0 $0x1;
	_ =	shalt  }
.Lfunc_end2:
_tile_overlayer_lowered:
.L_overlay_start_2:
0x123: {  	(tag) =	ssettag $0x2  }
0x124: {  	s0 =	rddreg [dreg:$0x0];
	s2 =	stileid.u32  }
0x125: {  	s1 =	rddreg [dreg:$0x1];
	p0 =	sne.s32 s2, $0x0  }
0x126: {  	s3 =	rddreg [dreg:$0x2];
	[bflag:$0x3] =	sbarrier.arrive $0xFFFF;
	s2 =	simm.s32 @!p0 $0x1C01  }
0x127: {  	[timem:s3], [sflag:s2] =	dma.local @!p0 [hbm:s0], s1  }
0x128: {  	s0 =	simm.s32 @!p0 $0x1  }
0x129: {  	_ =	swait.ge @!p0 [sflag:s0], s1  }
0x12a: {  	s1 =	ssub.s32 @!p0 $0x0, s1;
	[sflag:s0] =	ssyncset.done @!p0 $0x0  }
0x12b: {  	[sflag:s0] =	ssyncadd.s32 @!p0 s1  }
0x12c: {  	[bflag:$0x3] =	sbarrier.arrive $0xFFFF  }
0x12d: {  	_ =	shalt  }

</sc_bundles>
